<compile_context>
chip_gen: v7x
topology: tpu7x:2x2x1
jax: 0.10.2.dev20260603
libtpu: 0.0.44.dev20260713+nightly
codegen_flags: <defaults>
</compile_context>

<pallas_src>
import functools

import jax
import jax.numpy as jnp
from jax import lax
from jax.experimental import pallas as pl
from jax.experimental.pallas import tpu as pltpu
from jax.experimental.pallas import tpu_sc as plsc

_ROWS = 64
_N = 8192
_K1 = 129
_L = 16
_NC = 2
_NS = 16
_NW = _NC * _NS
_RPW = _ROWS // _NW
_NB = 256
_CAP = 256

_mesh = plsc.VectorSubcoreMesh(core_axis_name="c", subcore_axis_name="s")


@functools.partial(
    pl.kernel,
    out_type=jax.ShapeDtypeStruct((_ROWS, _N), jnp.float32),
    mesh=_mesh,
    compiler_params=pltpu.CompilerParams(needs_layout_passes=False),
    scratch_types=[
        pltpu.VMEM((_RPW * _N,), jnp.float32),
        pltpu.VMEM((_RPW * _N,), jnp.float32),
        pltpu.VMEM((_L * _NB,), jnp.int32),
        pltpu.VMEM((_N + _L,), jnp.int32),
        pltpu.SemaphoreType.DMA,
        pltpu.SemaphoreType.DMA,
    ],
)
def _ksparse_kernel(
    x_hbm, out_hbm, rows_v, outs_v, hist_v, cand_v, in_sem, out_sem
):
    wid = lax.axis_index("s") * _NC + lax.axis_index("c")
    base = wid * _RPW
    for r in range(_RPW):
        pltpu.async_copy(
            x_hbm.at[base + r], rows_v.at[pl.ds(r * _N, _N)], in_sem
        )
    for r in range(_RPW):
        pltpu.make_async_copy(
            x_hbm.at[base + r], rows_v.at[pl.ds(r * _N, _N)], in_sem
        ).wait()

    zero_i = jnp.zeros((_L,), jnp.int32)
    one_i = jnp.ones((_L,), jnp.int32)
    k1_v = jnp.full((_L,), _K1, jnp.int32)
    min_v = jnp.full((_L,), -(2 ** 31), jnp.int32)
    zero_f = jnp.zeros((_L,), jnp.float32)
    iota_i = lax.iota(jnp.int32, _L)
    lane_off = iota_i * jnp.int32(_NB)
    m31 = jnp.int32(0x7FFFFFFF)

    def to_key(x):
        b = lax.bitcast_convert_type(x, jnp.int32)
        return b ^ (lax.shift_right_arithmetic(b, 31) & m31)

    def row_body(r, _):
        rb = r * jnp.int32(_N)

        def zero_body(i):
            hist_v[pl.ds(i, _L)] = zero_i

        plsc.parallel_loop(0, _L * _NB, step=_L, unroll=8)(zero_body)

        def hist_body(i):
            k = to_key(rows_v[pl.ds(rb + i, _L)])
            ub = lax.shift_right_logical(k, 24) ^ jnp.int32(128)
            plsc.addupdate_scatter(hist_v, [lane_off + ub], one_i)

        plsc.parallel_loop(0, _N, step=_L, unroll=8)(hist_body)

        def scan_body(j, carry):
            above, bstar, done = carry
            c = jnp.int32(_L - 1) - j
            cb = c * jnp.int32(_L)
            t_c = hist_v[pl.ds(cb, _L)]
            for l in range(1, _L):
                t_c = t_c + hist_v[pl.ds(cb + l * _NB, _L)]
            r_c = lax.rev(plsc.cumsum(lax.rev(t_c, (0,))), (0,))
            s_c = r_c + above
            above = above + lax.broadcast(r_c[0], (_L,))
            pc = plsc.all_reduce_population_count(s_c >= k1_v)
            in_c = lax.broadcast(cb, (_L,)) + pc - one_i
            fresh = jnp.where(pc > zero_i, one_i, zero_i) * (one_i - done)
            bstar = jnp.where(fresh > zero_i, in_c, bstar)
            done = done | fresh
            return above, bstar, done

        _, bstar, _ = lax.fori_loop(
            0, _L, scan_body, (zero_i, zero_i, zero_i), unroll=2
        )

        tv = lax.shift_left(bstar ^ jnp.full((_L,), 128, jnp.int32), 24)

        def fill_body(i):
            cand_v[pl.ds(i, _L)] = min_v

        plsc.parallel_loop(0, _CAP + _L, step=_L, unroll=8)(fill_body)

        def comp_body(i, off):
            k = to_key(rows_v[pl.ds(rb + i, _L)])
            m = k >= tv
            ones_m = jnp.where(m, one_i, zero_i)
            pos = off + plsc.cumsum(ones_m) - one_i
            plsc.store_scatter(cand_v, [pos], k, mask=m)
            return off + plsc.all_reduce_population_count(m)

        ncv = plsc.parallel_loop(0, _N, step=_L, unroll=16, carry=zero_i)(
            comp_body
        )
        plsc.store_scatter(cand_v, [ncv + iota_i], min_v)
        nvec = lax.div(ncv[0] + jnp.int32(_L - 1), jnp.int32(_L))

        two_i = jnp.full((_L,), 2, jnp.int32)
        three_i = jnp.full((_L,), 3, jnp.int32)

        def bit_lo(i, tv):
            pos_v = lax.broadcast(jnp.int32(22) - 2 * i, (_L,))
            t1 = tv + lax.shift_left(one_i, pos_v)
            t2 = tv + lax.shift_left(two_i, pos_v)
            t3 = tv + lax.shift_left(three_i, pos_v)

            def sbody(j, accs):
                a1, a2, a3 = accs
                k = cand_v[pl.ds(j, _L)]
                return (
                    a1 + plsc.all_reduce_population_count(k >= t1),
                    a2 + plsc.all_reduce_population_count(k >= t2),
                    a3 + plsc.all_reduce_population_count(k >= t3),
                )

            accs = plsc.parallel_loop(
                0, _CAP, step=_L, unroll=2, carry=(zero_i, zero_i, zero_i)
            )(sbody)

            def tbody(j, accs):
                a1, a2, a3 = accs
                k = cand_v[pl.ds(j * _L, _L)]
                return (
                    a1 + plsc.all_reduce_population_count(k >= t1),
                    a2 + plsc.all_reduce_population_count(k >= t2),
                    a3 + plsc.all_reduce_population_count(k >= t3),
                )

            c1, c2, c3 = lax.fori_loop(_CAP // _L, nvec, tbody, accs)
            tv = jnp.where(c1 >= k1_v, t1, tv)
            tv = jnp.where(c2 >= k1_v, t2, tv)
            tv = jnp.where(c3 >= k1_v, t3, tv)
            return tv

        tv = lax.fori_loop(0, 12, bit_lo, tv)

        thr_f = lax.bitcast_convert_type(
            tv ^ (lax.shift_right_arithmetic(tv, 31) & m31), jnp.float32
        )

        def mask_body(i):
            x = rows_v[pl.ds(rb + i, _L)]
            outs_v[pl.ds(rb + i, _L)] = jnp.where(x > thr_f, x, zero_f)

        plsc.parallel_loop(0, _N, step=_L, unroll=8)(mask_body)
        pltpu.async_copy(
            outs_v.at[pl.ds(rb, _N)], out_hbm.at[base + r], out_sem
        )
        return 0

    lax.fori_loop(0, _RPW, row_body, 0)

    for r in range(_RPW):
        pltpu.make_async_copy(
            outs_v.at[pl.ds(r * _N, _N)], out_hbm.at[base + r], out_sem
        ).wait()


def kernel(inputs):
    return _ksparse_kernel(inputs)

# --- scband reference (transcript-rebuilt; emitter-appended) ---
"""Pipeline reference for scband-ksparse-88811333746941 (READ-ONLY COPY).

The authoritative reference and input builder live on the scoring server;
editing this copy changes nothing except your own understanding.
"""

import jax, jax.numpy as jnp
import numpy as np

K_SPARSE = 128

def setup_inputs(seed: int = 0) -> dict:
    key = jax.random.key(seed)
    inputs = jax.random.normal(key, (64, 8192), dtype=jnp.float32)
    return {"inputs": inputs}

def reference(inputs):
    # Training-phase branch of KSparse.call -> k_sparsify:
    # sort ascending, take element at index N-1-k (the (k+1)-th largest),
    # keep only entries strictly greater than it.
    n = inputs.shape[-1]
    sorted_in = jnp.sort(inputs, axis=-1)
    kth_smallest = sorted_in[..., n - 1 - K_SPARSE]
    mask = (inputs > kth_smallest[:, None]).astype(jnp.float32)
    return inputs * mask

if __name__ == "__main__":
    import jax
    _d = setup_inputs()
    print(jax.jit(kernel)(*tuple(_d.values())))

</pallas_src>

<mosaic_0001>
#map = affine_map<(d0, d1) -> (0, 0)>
module attributes {stable_mosaic.version = 14 : i64} {
  func.func @_ksparse_kernel(%arg0: i32, %arg1: i32, %arg2: memref<64x8192xf32, #tpu.memory_space<hbm>>, %arg3: memref<64x8192xf32, #tpu.memory_space<hbm>>, %arg4: memref<16384xf32, #tpu.memory_space<vmem>>, %arg5: memref<16384xf32, #tpu.memory_space<vmem>>, %arg6: memref<4096xi32, #tpu.memory_space<vmem>>, %arg7: memref<8208xi32, #tpu.memory_space<vmem>>, %arg8: memref<!tpu.dma_semaphore, #tpu.memory_space<semaphore_mem>>, %arg9: memref<!tpu.dma_semaphore, #tpu.memory_space<semaphore_mem>>) attributes {dimension_semantics = [#tpu.dimension_semantics<core_parallel>, #tpu.dimension_semantics<subcore_parallel>], iteration_bounds = array<i64: 2, 16>, scalar_prefetch = 0 : i64, scratch_operands = 6 : i64, tpu.core_type = #tpu.core_type<sc_vector_subcore>, window_params = [{transform_indices = #map}, {transform_indices = #map}]} {
    %mul3A = arith.constant 2 : i32
    %mul3A_0 = arith.muli %arg1, %mul3A : i32
    %add3A = arith.addi %mul3A_0, %arg0 : i32
    %mul3A_1 = arith.constant 2 : i32
    %mul3A_2 = arith.muli %add3A, %mul3A_1 : i32
    %add3A_3 = arith.constant 0 : i32
    %add3A_4 = arith.addi %mul3A_2, %add3A_3 : i32
    %dma_start3A = arith.constant 0 : i32
    %dma_start3A_5 = tpu.memref_slice %arg4[%dma_start3A] : memref<16384xf32, #tpu.memory_space<vmem>> -> memref<8192xf32, #tpu.memory_space<vmem>>
    %dma_start3A_6 = arith.constant 0 : i32
    %dma_start3A_7 = tpu.memref_slice %arg2[%add3A_4, %dma_start3A_6] : memref<64x8192xf32, #tpu.memory_space<hbm>> -> memref<1x8192xf32, #tpu.memory_space<hbm>>
    %dma_start3A_8 = tpu.memref_squeeze %dma_start3A_7 : memref<1x8192xf32, #tpu.memory_space<hbm>> -> memref<8192xf32, #tpu.memory_space<hbm>>
    %dma_start3A_9 = arith.constant 0 : i32
    %dma_start3A_10 = tpu.memref_slice %arg4[%dma_start3A_9] : memref<16384xf32, #tpu.memory_space<vmem>> -> memref<8192xf32, #tpu.memory_space<vmem>>
    %dma_start3A_11 = arith.constant 0 : i32
    %dma_start3A_12 = tpu.memref_slice %arg2[%add3A_4, %dma_start3A_11] : memref<64x8192xf32, #tpu.memory_space<hbm>> -> memref<1x8192xf32, #tpu.memory_space<hbm>>
    %dma_start3A_13 = tpu.memref_squeeze %dma_start3A_12 : memref<1x8192xf32, #tpu.memory_space<hbm>> -> memref<8192xf32, #tpu.memory_space<hbm>>
    tpu.enqueue_dma source(%dma_start3A_13 : memref<8192xf32, #tpu.memory_space<hbm>>) target(%dma_start3A_10 : memref<8192xf32, #tpu.memory_space<vmem>>) target_semaphore(%arg8 : memref<!tpu.dma_semaphore, #tpu.memory_space<semaphore_mem>>)
    %add3A_14 = arith.constant 1 : i32
    %add3A_15 = arith.addi %mul3A_2, %add3A_14 : i32
    %dma_start3A_16 = arith.constant 8192 : i32
    %dma_start3A_17 = tpu.memref_slice %arg4[%dma_start3A_16] : memref<16384xf32, #tpu.memory_space<vmem>> -> memref<8192xf32, #tpu.memory_space<vmem>>
    %dma_start3A_18 = arith.constant 0 : i32
    %dma_start3A_19 = tpu.memref_slice %arg2[%add3A_15, %dma_start3A_18] : memref<64x8192xf32, #tpu.memory_space<hbm>> -> memref<1x8192xf32, #tpu.memory_space<hbm>>
    %dma_start3A_20 = tpu.memref_squeeze %dma_start3A_19 : memref<1x8192xf32, #tpu.memory_space<hbm>> -> memref<8192xf32, #tpu.memory_space<hbm>>
    %dma_start3A_21 = arith.constant 8192 : i32
    %dma_start3A_22 = tpu.memref_slice %arg4[%dma_start3A_21] : memref<16384xf32, #tpu.memory_space<vmem>> -> memref<8192xf32, #tpu.memory_space<vmem>>
    %dma_start3A_23 = arith.constant 0 : i32
    %dma_start3A_24 = tpu.memref_slice %arg2[%add3A_15, %dma_start3A_23] : memref<64x8192xf32, #tpu.memory_space<hbm>> -> memref<1x8192xf32, #tpu.memory_space<hbm>>
    %dma_start3A_25 = tpu.memref_squeeze %dma_start3A_24 : memref<1x8192xf32, #tpu.memory_space<hbm>> -> memref<8192xf32, #tpu.memory_space<hbm>>
    tpu.enqueue_dma source(%dma_start3A_25 : memref<8192xf32, #tpu.memory_space<hbm>>) target(%dma_start3A_22 : memref<8192xf32, #tpu.memory_space<vmem>>) target_semaphore(%arg8 : memref<!tpu.dma_semaphore, #tpu.memory_space<semaphore_mem>>)
    %add3A_26 = arith.constant 0 : i32
    %add3A_27 = arith.addi %mul3A_2, %add3A_26 : i32
    %dma_wait3A = arith.constant 0 : i32
    %dma_wait3A_28 = tpu.memref_slice %arg4[%dma_wait3A] : memref<16384xf32, #tpu.memory_space<vmem>> -> memref<8192xf32, #tpu.memory_space<vmem>>
    %dma_wait3A_29 = arith.constant 0 : i32
    %dma_wait3A_30 = tpu.memref_slice %arg2[%add3A_27, %dma_wait3A_29] : memref<64x8192xf32, #tpu.memory_space<hbm>> -> memref<1x8192xf32, #tpu.memory_space<hbm>>
    %dma_wait3A_31 = tpu.memref_squeeze %dma_wait3A_30 : memref<1x8192xf32, #tpu.memory_space<hbm>> -> memref<8192xf32, #tpu.memory_space<hbm>>
    %dma_wait3A_32 = arith.constant 0 : i32
    %dma_wait3A_33 = tpu.memref_slice %arg4[%dma_wait3A_32] : memref<16384xf32, #tpu.memory_space<vmem>> -> memref<8192xf32, #tpu.memory_space<vmem>>
    %dma_wait3A_34 = arith.constant 0 : i32
    %dma_wait3A_35 = tpu.memref_slice %arg2[%add3A_27, %dma_wait3A_34] : memref<64x8192xf32, #tpu.memory_space<hbm>> -> memref<1x8192xf32, #tpu.memory_space<hbm>>
    %dma_wait3A_36 = tpu.memref_squeeze %dma_wait3A_35 : memref<1x8192xf32, #tpu.memory_space<hbm>> -> memref<8192xf32, #tpu.memory_space<hbm>>
    tpu.wait_dma2 semaphore(%arg8 : memref<!tpu.dma_semaphore, #tpu.memory_space<semaphore_mem>>) src(%dma_wait3A_36 : memref<8192xf32, #tpu.memory_space<hbm>>) dst(%dma_wait3A_33 : memref<8192xf32, #tpu.memory_space<vmem>>)
    %add3A_37 = arith.constant 1 : i32
    %add3A_38 = arith.addi %mul3A_2, %add3A_37 : i32
    %dma_wait3A_39 = arith.constant 8192 : i32
    %dma_wait3A_40 = tpu.memref_slice %arg4[%dma_wait3A_39] : memref<16384xf32, #tpu.memory_space<vmem>> -> memref<8192xf32, #tpu.memory_space<vmem>>
    %dma_wait3A_41 = arith.constant 0 : i32
    %dma_wait3A_42 = tpu.memref_slice %arg2[%add3A_38, %dma_wait3A_41] : memref<64x8192xf32, #tpu.memory_space<hbm>> -> memref<1x8192xf32, #tpu.memory_space<hbm>>
    %dma_wait3A_43 = tpu.memref_squeeze %dma_wait3A_42 : memref<1x8192xf32, #tpu.memory_space<hbm>> -> memref<8192xf32, #tpu.memory_space<hbm>>
    %dma_wait3A_44 = arith.constant 8192 : i32
    %dma_wait3A_45 = tpu.memref_slice %arg4[%dma_wait3A_44] : memref<16384xf32, #tpu.memory_space<vmem>> -> memref<8192xf32, #tpu.memory_space<vmem>>
    %dma_wait3A_46 = arith.constant 0 : i32
    %dma_wait3A_47 = tpu.memref_slice %arg2[%add3A_38, %dma_wait3A_46] : memref<64x8192xf32, #tpu.memory_space<hbm>> -> memref<1x8192xf32, #tpu.memory_space<hbm>>
    %dma_wait3A_48 = tpu.memref_squeeze %dma_wait3A_47 : memref<1x8192xf32, #tpu.memory_space<hbm>> -> memref<8192xf32, #tpu.memory_space<hbm>>
    tpu.wait_dma2 semaphore(%arg8 : memref<!tpu.dma_semaphore, #tpu.memory_space<semaphore_mem>>) src(%dma_wait3A_48 : memref<8192xf32, #tpu.memory_space<hbm>>) dst(%dma_wait3A_45 : memref<8192xf32, #tpu.memory_space<vmem>>)
    %broadcast_in_dim3A = arith.constant 0 : i32
    %broadcast_in_dim3A_49 = vector.broadcast %broadcast_in_dim3A : i32 to vector<16xi32>
    %broadcast_in_dim3A_50 = arith.constant 1 : i32
    %broadcast_in_dim3A_51 = vector.broadcast %broadcast_in_dim3A_50 : i32 to vector<16xi32>
    %broadcast_in_dim3A_52 = arith.constant 129 : i32
    %broadcast_in_dim3A_53 = vector.broadcast %broadcast_in_dim3A_52 : i32 to vector<16xi32>
    %broadcast_in_dim3A_54 = arith.constant -2147483648 : i32
    %broadcast_in_dim3A_55 = vector.broadcast %broadcast_in_dim3A_54 : i32 to vector<16xi32>
    %broadcast_in_dim3A_56 = arith.constant 0.000000e+00 : f32
    %broadcast_in_dim3A_57 = vector.broadcast %broadcast_in_dim3A_56 : f32 to vector<16xf32>
    %iota3A = tpu.iota {dimensions = array<i32: 0>} : vector<16xi32>
    %mul3A_58 = arith.constant 256 : i32
    %mul3A_59 = vector.broadcast %mul3A_58 : i32 to vector<16xi32>
    %mul3A_60 = arith.muli %iota3A, %mul3A_59 : vector<16xi32>
    %scan3A = arith.constant 2147483647 : i32
    %scan3A_61 = arith.constant 0 : i32
    %scan3A_62 = arith.constant 0 : i32
    %scan3A_63 = arith.constant 2 : i32
    %scan3A_64 = arith.addi %scan3A_62, %scan3A_63 : i32
    %scan3A_65 = arith.constant 1 : i32
    %scan3A_66 = scf.for %scan3A_92 = %scan3A_62 to %scan3A_64 step %scan3A_65 iter_args(%scan3A_93 = %scan3A_61) -> (i32)  : i32 {
      %mul3A_94 = arith.constant 8192 : i32
      %mul3A_95 = arith.muli %scan3A_92, %mul3A_94 : i32
      %parallel_loop3A = arith.constant 0 : i32
      %parallel_loop3A_96 = arith.constant 4096 : i32
      %parallel_loop3A_97 = arith.constant 16 : i32
      scf.for %parallel_loop3A_149 = %parallel_loop3A to %parallel_loop3A_96 step %parallel_loop3A_97  : i32 {
        %parallel_loop3A_150 = arith.index_cast %parallel_loop3A_149 : i32 to index
        %parallel_loop3A_151 = tpu.vector_load %arg6[%parallel_loop3A_150] {strides = array<i32>} : memref<4096xi32, #tpu.memory_space<vmem>>, vector<16xi32>,
        tpu.vector_store %arg6[%parallel_loop3A_150], %broadcast_in_dim3A_49 {strides = array<i32>} : memref<4096xi32, #tpu.memory_space<vmem>>, vector<16xi32>,
      } {sc.loop_unroll_factor = 8 : i64, sc.parallel_access}
      %parallel_loop3A_98 = arith.constant 0 : i32
      %parallel_loop3A_99 = arith.constant 8192 : i32
      %parallel_loop3A_100 = arith.constant 16 : i32
      scf.for %parallel_loop3A_149 = %parallel_loop3A_98 to %parallel_loop3A_99 step %parallel_loop3A_100  : i32 {
        %parallel_loop3A_150 = arith.addi %mul3A_95, %parallel_loop3A_149 : i32
        %parallel_loop3A_151 = arith.index_cast %parallel_loop3A_150 : i32 to index
        %parallel_loop3A_152 = tpu.vector_load %arg4[%parallel_loop3A_151] {strides = array<i32>} : memref<16384xf32, #tpu.memory_space<vmem>>, vector<16xf32>,
        %parallel_loop3A_153 = tpu.bitcast %parallel_loop3A_152 : vector<16xf32> -> vector<16xi32>
        %parallel_loop3A_154 = arith.constant 31 : i32
        %parallel_loop3A_155 = vector.broadcast %parallel_loop3A_154 : i32 to vector<16xi32>
        %parallel_loop3A_156 = arith.shrsi %parallel_loop3A_153, %parallel_loop3A_155 : vector<16xi32>
        %parallel_loop3A_157 = vector.broadcast %scan3A : i32 to vector<16xi32>
        %parallel_loop3A_158 = arith.andi %parallel_loop3A_156, %parallel_loop3A_157 : vector<16xi32>
        %parallel_loop3A_159 = arith.xori %parallel_loop3A_153, %parallel_loop3A_158 : vector<16xi32>
        %parallel_loop3A_160 = arith.constant 24 : i32
        %parallel_loop3A_161 = vector.broadcast %parallel_loop3A_160 : i32 to vector<16xi32>
        %parallel_loop3A_162 = arith.shrui %parallel_loop3A_159, %parallel_loop3A_161 : vector<16xi32>
        %parallel_loop3A_163 = arith.constant 128 : i32
        %parallel_loop3A_164 = vector.broadcast %parallel_loop3A_163 : i32 to vector<16xi32>
        %parallel_loop3A_165 = arith.xori %parallel_loop3A_162, %parallel_loop3A_164 : vector<16xi32>
        %parallel_loop3A_166 = arith.addi %mul3A_60, %parallel_loop3A_165 : vector<16xi32>
        tpu.vector_store_idx %arg6[%parallel_loop3A_166], %broadcast_in_dim3A_51 {add = true} : memref<4096xi32, #tpu.memory_space<vmem>>[vector<16xi32>], vector<16xi32>,
      } {sc.loop_unroll_factor = 8 : i64, sc.parallel_access}
      %scan3A_101 = arith.constant 0 : i32
      %scan3A_102 = arith.constant 16 : i32
      %scan3A_103 = arith.addi %scan3A_101, %scan3A_102 : i32
      %scan3A_104 = arith.constant 2 : i32
      %scan3A_105:3 = scf.for %scan3A_149 = %scan3A_101 to %scan3A_103 step %scan3A_104 iter_args(%scan3A_150 = %broadcast_in_dim3A_49, %scan3A_151 = %broadcast_in_dim3A_49, %scan3A_152 = %broadcast_in_dim3A_49) -> (vector<16xi32>, vector<16xi32>, vector<16xi32>)  : i32 {
        %sub3A = arith.constant 15 : i32
        %sub3A_153 = arith.subi %sub3A, %scan3A_149 : i32
        %mul3A_154 = arith.constant 16 : i32
        %mul3A_155 = arith.muli %sub3A_153, %mul3A_154 : i32
        %get3A = arith.index_cast %mul3A_155 : i32 to index
        %get3A_156 = tpu.vector_load %arg6[%get3A] {strides = array<i32>} : memref<4096xi32, #tpu.memory_space<vmem>>, vector<16xi32>,
        %add3A_157 = arith.constant 256 : i32
        %add3A_158 = arith.addi %mul3A_155, %add3A_157 : i32
        %get3A_159 = arith.index_cast %add3A_158 : i32 to index
        %get3A_160 = tpu.vector_load %arg6[%get3A_159] {strides = array<i32>} : memref<4096xi32, #tpu.memory_space<vmem>>, vector<16xi32>,
        %add3A_161 = arith.addi %get3A_156, %get3A_160 : vector<16xi32>
        %add3A_162 = arith.constant 512 : i32
        %add3A_163 = arith.addi %mul3A_155, %add3A_162 : i32
        %get3A_164 = arith.index_cast %add3A_163 : i32 to index
        %get3A_165 = tpu.vector_load %arg6[%get3A_164] {strides = array<i32>} : memref<4096xi32, #tpu.memory_space<vmem>>, vector<16xi32>,
        %add3A_166 = arith.addi %add3A_161, %get3A_165 : vector<16xi32>
        %add3A_167 = arith.constant 768 : i32
        %add3A_168 = arith.addi %mul3A_155, %add3A_167 : i32
        %get3A_169 = arith.index_cast %add3A_168 : i32 to index
        %get3A_170 = tpu.vector_load %arg6[%get3A_169] {strides = array<i32>} : memref<4096xi32, #tpu.memory_space<vmem>>, vector<16xi32>,
        %add3A_171 = arith.addi %add3A_166, %get3A_170 : vector<16xi32>
        %add3A_172 = arith.constant 1024 : i32
        %add3A_173 = arith.addi %mul3A_155, %add3A_172 : i32
        %get3A_174 = arith.index_cast %add3A_173 : i32 to index
        %get3A_175 = tpu.vector_load %arg6[%get3A_174] {strides = array<i32>} : memref<4096xi32, #tpu.memory_space<vmem>>, vector<16xi32>,
        %add3A_176 = arith.addi %add3A_171, %get3A_175 : vector<16xi32>
        %add3A_177 = arith.constant 1280 : i32
        %add3A_178 = arith.addi %mul3A_155, %add3A_177 : i32
        %get3A_179 = arith.index_cast %add3A_178 : i32 to index
        %get3A_180 = tpu.vector_load %arg6[%get3A_179] {strides = array<i32>} : memref<4096xi32, #tpu.memory_space<vmem>>, vector<16xi32>,
        %add3A_181 = arith.addi %add3A_176, %get3A_180 : vector<16xi32>
        %add3A_182 = arith.constant 1536 : i32
        %add3A_183 = arith.addi %mul3A_155, %add3A_182 : i32
        %get3A_184 = arith.index_cast %add3A_183 : i32 to index
        %get3A_185 = tpu.vector_load %arg6[%get3A_184] {strides = array<i32>} : memref<4096xi32, #tpu.memory_space<vmem>>, vector<16xi32>,
        %add3A_186 = arith.addi %add3A_181, %get3A_185 : vector<16xi32>
        %add3A_187 = arith.constant 1792 : i32
        %add3A_188 = arith.addi %mul3A_155, %add3A_187 : i32
        %get3A_189 = arith.index_cast %add3A_188 : i32 to index
        %get3A_190 = tpu.vector_load %arg6[%get3A_189] {strides = array<i32>} : memref<4096xi32, #tpu.memory_space<vmem>>, vector<16xi32>,
        %add3A_191 = arith.addi %add3A_186, %get3A_190 : vector<16xi32>
        %add3A_192 = arith.constant 2048 : i32
        %add3A_193 = arith.addi %mul3A_155, %add3A_192 : i32
        %get3A_194 = arith.index_cast %add3A_193 : i32 to index
        %get3A_195 = tpu.vector_load %arg6[%get3A_194] {strides = array<i32>} : memref<4096xi32, #tpu.memory_space<vmem>>, vector<16xi32>,
        %add3A_196 = arith.addi %add3A_191, %get3A_195 : vector<16xi32>
        %add3A_197 = arith.constant 2304 : i32
        %add3A_198 = arith.addi %mul3A_155, %add3A_197 : i32
        %get3A_199 = arith.index_cast %add3A_198 : i32 to index
        %get3A_200 = tpu.vector_load %arg6[%get3A_199] {strides = array<i32>} : memref<4096xi32, #tpu.memory_space<vmem>>, vector<16xi32>,
        %add3A_201 = arith.addi %add3A_196, %get3A_200 : vector<16xi32>
        %add3A_202 = arith.constant 2560 : i32
        %add3A_203 = arith.addi %mul3A_155, %add3A_202 : i32
        %get3A_204 = arith.index_cast %add3A_203 : i32 to index
        %get3A_205 = tpu.vector_load %arg6[%get3A_204] {strides = array<i32>} : memref<4096xi32, #tpu.memory_space<vmem>>, vector<16xi32>,
        %add3A_206 = arith.addi %add3A_201, %get3A_205 : vector<16xi32>
        %add3A_207 = arith.constant 2816 : i32
        %add3A_208 = arith.addi %mul3A_155, %add3A_207 : i32
        %get3A_209 = arith.index_cast %add3A_208 : i32 to index
        %get3A_210 = tpu.vector_load %arg6[%get3A_209] {strides = array<i32>} : memref<4096xi32, #tpu.memory_space<vmem>>, vector<16xi32>,
        %add3A_211 = arith.addi %add3A_206, %get3A_210 : vector<16xi32>
        %add3A_212 = arith.constant 3072 : i32
        %add3A_213 = arith.addi %mul3A_155, %add3A_212 : i32
        %get3A_214 = arith.index_cast %add3A_213 : i32 to index
        %get3A_215 = tpu.vector_load %arg6[%get3A_214] {strides = array<i32>} : memref<4096xi32, #tpu.memory_space<vmem>>, vector<16xi32>,
        %add3A_216 = arith.addi %add3A_211, %get3A_215 : vector<16xi32>
        %add3A_217 = arith.constant 3328 : i32
        %add3A_218 = arith.addi %mul3A_155, %add3A_217 : i32
        %get3A_219 = arith.index_cast %add3A_218 : i32 to index
        %get3A_220 = tpu.vector_load %arg6[%get3A_219] {strides = array<i32>} : memref<4096xi32, #tpu.memory_space<vmem>>, vector<16xi32>,
        %add3A_221 = arith.addi %add3A_216, %get3A_220 : vector<16xi32>
        %add3A_222 = arith.constant 3584 : i32
        %add3A_223 = arith.addi %mul3A_155, %add3A_222 : i32
        %get3A_224 = arith.index_cast %add3A_223 : i32 to index
        %get3A_225 = tpu.vector_load %arg6[%get3A_224] {strides = array<i32>} : memref<4096xi32, #tpu.memory_space<vmem>>, vector<16xi32>,
        %add3A_226 = arith.addi %add3A_221, %get3A_225 : vector<16xi32>
        %add3A_227 = arith.constant 3840 : i32
        %add3A_228 = arith.addi %mul3A_155, %add3A_227 : i32
        %get3A_229 = arith.index_cast %add3A_228 : i32 to index
        %get3A_230 = tpu.vector_load %arg6[%get3A_229] {strides = array<i32>} : memref<4096xi32, #tpu.memory_space<vmem>>, vector<16xi32>,
        %add3A_231 = arith.addi %add3A_226, %get3A_230 : vector<16xi32>
        %rev3A = arith.constant 15 : i32
        %rev3A_232 = vector.broadcast %rev3A : i32 to vector<16xi32>
        %rev3A_233 = tpu.iota {dimensions = array<i32: 0>} : vector<16xi32>
        %rev3A_234 = arith.subi %rev3A_232, %rev3A_233 : vector<16xi32>
        %rev3A_235 = tpu.dynamic_gather %add3A_231[%rev3A_234] in [0] : vector<16xi32>, vector<16xi32> -> vector<16xi32>
        %broadcast_in_dim3A_236 = arith.constant true
        %broadcast_in_dim3A_237 = vector.broadcast %broadcast_in_dim3A_236 : i1 to vector<16xi1>
        %masked_cumsum3A = tpu.scan <sum>, %rev3A_235 masked %broadcast_in_dim3A_237 : vector<16xi32>, vector<16xi1> -> vector<16xi32>
        %rev3A_238 = arith.constant 15 : i32
        %rev3A_239 = vector.broadcast %rev3A_238 : i32 to vector<16xi32>
        %rev3A_240 = tpu.iota {dimensions = array<i32: 0>} : vector<16xi32>
        %rev3A_241 = arith.subi %rev3A_239, %rev3A_240 : vector<16xi32>
        %rev3A_242 = tpu.dynamic_gather %masked_cumsum3A[%rev3A_241] in [0] : vector<16xi32>, vector<16xi32> -> vector<16xi32>
        %add3A_243 = arith.addi %rev3A_242, %scan3A_150 : vector<16xi32>
        %slice3A_244 = vector.extract_strided_slice %rev3A_242 {offsets = [0], sizes = [1], strides = [1]} : vector<16xi32> to vector<1xi32>
        %squeeze3A_245 = vector.extract %slice3A_244[0] : i32 from vector<1xi32>
        %broadcast_in_dim3A_246 = vector.broadcast %squeeze3A_245 : i32 to vector<16xi32>
        %add3A_247 = arith.addi %scan3A_150, %broadcast_in_dim3A_246 : vector<16xi32>
        %ge3A = arith.cmpi sge, %add3A_243, %broadcast_in_dim3A_53 : vector<16xi32>
        %all_reduce_population_count3A = tpu.all_reduce %ge3A {dim = 0 : i64, kind = #tpu.reduction_kind<sum>} : vector<16xi1> -> vector<16xi32>
        %broadcast_in_dim3A_248 = vector.broadcast %mul3A_155 : i32 to vector<16xi32>
        %add3A_249 = arith.addi %broadcast_in_dim3A_248, %all_reduce_population_count3A : vector<16xi32>
        %sub3A_250 = arith.subi %add3A_249, %broadcast_in_dim3A_51 : vector<16xi32>
        %gt3A = arith.cmpi sgt, %all_reduce_population_count3A, %broadcast_in_dim3A_49 : vector<16xi32>
        %select_n3A = arith.select %gt3A, %broadcast_in_dim3A_51, %broadcast_in_dim3A_49 : vector<16xi1>, vector<16xi32>
        %sub3A_251 = arith.subi %broadcast_in_dim3A_51, %scan3A_152 : vector<16xi32>
        %mul3A_252 = arith.muli %select_n3A, %sub3A_251 : vector<16xi32>
        %gt3A_253 = arith.cmpi sgt, %mul3A_252, %broadcast_in_dim3A_49 : vector<16xi32>
        %select_n3A_254 = arith.select %gt3A_253, %sub3A_250, %scan3A_151 : vector<16xi1>, vector<16xi32>
        %or3A = arith.ori %scan3A_152, %mul3A_252 : vector<16xi32>
        %scan3A_255 = arith.constant 1 : i32
        %scan3A_256 = arith.addi %scan3A_149, %scan3A_255 : i32
        %sub3A_257 = arith.constant 15 : i32
        %sub3A_258 = arith.subi %sub3A_257, %scan3A_256 : i32
        %mul3A_259 = arith.constant 16 : i32
        %mul3A_260 = arith.muli %sub3A_258, %mul3A_259 : i32
        %get3A_261 = arith.index_cast %mul3A_260 : i32 to index
        %get3A_262 = tpu.vector_load %arg6[%get3A_261] {strides = array<i32>} : memref<4096xi32, #tpu.memory_space<vmem>>, vector<16xi32>,
        %add3A_263 = arith.constant 256 : i32
        %add3A_264 = arith.addi %mul3A_260, %add3A_263 : i32
        %get3A_265 = arith.index_cast %add3A_264 : i32 to index
        %get3A_266 = tpu.vector_load %arg6[%get3A_265] {strides = array<i32>} : memref<4096xi32, #tpu.memory_space<vmem>>, vector<16xi32>,
        %add3A_267 = arith.addi %get3A_262, %get3A_266 : vector<16xi32>
        %add3A_268 = arith.constant 512 : i32
        %add3A_269 = arith.addi %mul3A_260, %add3A_268 : i32
        %get3A_270 = arith.index_cast %add3A_269 : i32 to index
        %get3A_271 = tpu.vector_load %arg6[%get3A_270] {strides = array<i32>} : memref<4096xi32, #tpu.memory_space<vmem>>, vector<16xi32>,
        %add3A_272 = arith.addi %add3A_267, %get3A_271 : vector<16xi32>
        %add3A_273 = arith.constant 768 : i32
        %add3A_274 = arith.addi %mul3A_260, %add3A_273 : i32
        %get3A_275 = arith.index_cast %add3A_274 : i32 to index
        %get3A_276 = tpu.vector_load %arg6[%get3A_275] {strides = array<i32>} : memref<4096xi32, #tpu.memory_space<vmem>>, vector<16xi32>,
        %add3A_277 = arith.addi %add3A_272, %get3A_276 : vector<16xi32>
        %add3A_278 = arith.constant 1024 : i32
        %add3A_279 = arith.addi %mul3A_260, %add3A_278 : i32
        %get3A_280 = arith.index_cast %add3A_279 : i32 to index
        %get3A_281 = tpu.vector_load %arg6[%get3A_280] {strides = array<i32>} : memref<4096xi32, #tpu.memory_space<vmem>>, vector<16xi32>,
        %add3A_282 = arith.addi %add3A_277, %get3A_281 : vector<16xi32>
        %add3A_283 = arith.constant 1280 : i32
        %add3A_284 = arith.addi %mul3A_260, %add3A_283 : i32
        %get3A_285 = arith.index_cast %add3A_284 : i32 to index
        %get3A_286 = tpu.vector_load %arg6[%get3A_285] {strides = array<i32>} : memref<4096xi32, #tpu.memory_space<vmem>>, vector<16xi32>,
        %add3A_287 = arith.addi %add3A_282, %get3A_286 : vector<16xi32>
        %add3A_288 = arith.constant 1536 : i32
        %add3A_289 = arith.addi %mul3A_260, %add3A_288 : i32
        %get3A_290 = arith.index_cast %add3A_289 : i32 to index
        %get3A_291 = tpu.vector_load %arg6[%get3A_290] {strides = array<i32>} : memref<4096xi32, #tpu.memory_space<vmem>>, vector<16xi32>,
        %add3A_292 = arith.addi %add3A_287, %get3A_291 : vector<16xi32>
        %add3A_293 = arith.constant 1792 : i32
        %add3A_294 = arith.addi %mul3A_260, %add3A_293 : i32
        %get3A_295 = arith.index_cast %add3A_294 : i32 to index
        %get3A_296 = tpu.vector_load %arg6[%get3A_295] {strides = array<i32>} : memref<4096xi32, #tpu.memory_space<vmem>>, vector<16xi32>,
        %add3A_297 = arith.addi %add3A_292, %get3A_296 : vector<16xi32>
        %add3A_298 = arith.constant 2048 : i32
        %add3A_299 = arith.addi %mul3A_260, %add3A_298 : i32
        %get3A_300 = arith.index_cast %add3A_299 : i32 to index
        %get3A_301 = tpu.vector_load %arg6[%get3A_300] {strides = array<i32>} : memref<4096xi32, #tpu.memory_space<vmem>>, vector<16xi32>,
        %add3A_302 = arith.addi %add3A_297, %get3A_301 : vector<16xi32>
        %add3A_303 = arith.constant 2304 : i32
        %add3A_304 = arith.addi %mul3A_260, %add3A_303 : i32
        %get3A_305 = arith.index_cast %add3A_304 : i32 to index
        %get3A_306 = tpu.vector_load %arg6[%get3A_305] {strides = array<i32>} : memref<4096xi32, #tpu.memory_space<vmem>>, vector<16xi32>,
        %add3A_307 = arith.addi %add3A_302, %get3A_306 : vector<16xi32>
        %add3A_308 = arith.constant 2560 : i32
        %add3A_309 = arith.addi %mul3A_260, %add3A_308 : i32
        %get3A_310 = arith.index_cast %add3A_309 : i32 to index
        %get3A_311 = tpu.vector_load %arg6[%get3A_310] {strides = array<i32>} : memref<4096xi32, #tpu.memory_space<vmem>>, vector<16xi32>,
        %add3A_312 = arith.addi %add3A_307, %get3A_311 : vector<16xi32>
        %add3A_313 = arith.constant 2816 : i32
        %add3A_314 = arith.addi %mul3A_260, %add3A_313 : i32
        %get3A_315 = arith.index_cast %add3A_314 : i32 to index
        %get3A_316 = tpu.vector_load %arg6[%get3A_315] {strides = array<i32>} : memref<4096xi32, #tpu.memory_space<vmem>>, vector<16xi32>,
        %add3A_317 = arith.addi %add3A_312, %get3A_316 : vector<16xi32>
        %add3A_318 = arith.constant 3072 : i32
        %add3A_319 = arith.addi %mul3A_260, %add3A_318 : i32
        %get3A_320 = arith.index_cast %add3A_319 : i32 to index
        %get3A_321 = tpu.vector_load %arg6[%get3A_320] {strides = array<i32>} : memref<4096xi32, #tpu.memory_space<vmem>>, vector<16xi32>,
        %add3A_322 = arith.addi %add3A_317, %get3A_321 : vector<16xi32>
        %add3A_323 = arith.constant 3328 : i32
        %add3A_324 = arith.addi %mul3A_260, %add3A_323 : i32
        %get3A_325 = arith.index_cast %add3A_324 : i32 to index
        %get3A_326 = tpu.vector_load %arg6[%get3A_325] {strides = array<i32>} : memref<4096xi32, #tpu.memory_space<vmem>>, vector<16xi32>,
        %add3A_327 = arith.addi %add3A_322, %get3A_326 : vector<16xi32>
        %add3A_328 = arith.constant 3584 : i32
        %add3A_329 = arith.addi %mul3A_260, %add3A_328 : i32
        %get3A_330 = arith.index_cast %add3A_329 : i32 to index
        %get3A_331 = tpu.vector_load %arg6[%get3A_330] {strides = array<i32>} : memref<4096xi32, #tpu.memory_space<vmem>>, vector<16xi32>,
        %add3A_332 = arith.addi %add3A_327, %get3A_331 : vector<16xi32>
        %add3A_333 = arith.constant 3840 : i32
        %add3A_334 = arith.addi %mul3A_260, %add3A_333 : i32
        %get3A_335 = arith.index_cast %add3A_334 : i32 to index
        %get3A_336 = tpu.vector_load %arg6[%get3A_335] {strides = array<i32>} : memref<4096xi32, #tpu.memory_space<vmem>>, vector<16xi32>,
        %add3A_337 = arith.addi %add3A_332, %get3A_336 : vector<16xi32>
        %rev3A_338 = arith.constant 15 : i32
        %rev3A_339 = vector.broadcast %rev3A_338 : i32 to vector<16xi32>
        %rev3A_340 = tpu.iota {dimensions = array<i32: 0>} : vector<16xi32>
        %rev3A_341 = arith.subi %rev3A_339, %rev3A_340 : vector<16xi32>
        %rev3A_342 = tpu.dynamic_gather %add3A_337[%rev3A_341] in [0] : vector<16xi32>, vector<16xi32> -> vector<16xi32>
        %broadcast_in_dim3A_343 = arith.constant true
        %broadcast_in_dim3A_344 = vector.broadcast %broadcast_in_dim3A_343 : i1 to vector<16xi1>
        %masked_cumsum3A_345 = tpu.scan <sum>, %rev3A_342 masked %broadcast_in_dim3A_344 : vector<16xi32>, vector<16xi1> -> vector<16xi32>
        %rev3A_346 = arith.constant 15 : i32
        %rev3A_347 = vector.broadcast %rev3A_346 : i32 to vector<16xi32>
        %rev3A_348 = tpu.iota {dimensions = array<i32: 0>} : vector<16xi32>
        %rev3A_349 = arith.subi %rev3A_347, %rev3A_348 : vector<16xi32>
        %rev3A_350 = tpu.dynamic_gather %masked_cumsum3A_345[%rev3A_349] in [0] : vector<16xi32>, vector<16xi32> -> vector<16xi32>
        %add3A_351 = arith.addi %rev3A_350, %add3A_247 : vector<16xi32>
        %slice3A_352 = vector.extract_strided_slice %rev3A_350 {offsets = [0], sizes = [1], strides = [1]} : vector<16xi32> to vector<1xi32>
        %squeeze3A_353 = vector.extract %slice3A_352[0] : i32 from vector<1xi32>
        %broadcast_in_dim3A_354 = vector.broadcast %squeeze3A_353 : i32 to vector<16xi32>
        %add3A_355 = arith.addi %add3A_247, %broadcast_in_dim3A_354 : vector<16xi32>
        %ge3A_356 = arith.cmpi sge, %add3A_351, %broadcast_in_dim3A_53 : vector<16xi32>
        %all_reduce_population_count3A_357 = tpu.all_reduce %ge3A_356 {dim = 0 : i64, kind = #tpu.reduction_kind<sum>} : vector<16xi1> -> vector<16xi32>
        %broadcast_in_dim3A_358 = vector.broadcast %mul3A_260 : i32 to vector<16xi32>
        %add3A_359 = arith.addi %broadcast_in_dim3A_358, %all_reduce_population_count3A_357 : vector<16xi32>
        %sub3A_360 = arith.subi %add3A_359, %broadcast_in_dim3A_51 : vector<16xi32>
        %gt3A_361 = arith.cmpi sgt, %all_reduce_population_count3A_357, %broadcast_in_dim3A_49 : vector<16xi32>
        %select_n3A_362 = arith.select %gt3A_361, %broadcast_in_dim3A_51, %broadcast_in_dim3A_49 : vector<16xi1>, vector<16xi32>
        %sub3A_363 = arith.subi %broadcast_in_dim3A_51, %or3A : vector<16xi32>
        %mul3A_364 = arith.muli %select_n3A_362, %sub3A_363 : vector<16xi32>
        %gt3A_365 = arith.cmpi sgt, %mul3A_364, %broadcast_in_dim3A_49 : vector<16xi32>
        %select_n3A_366 = arith.select %gt3A_365, %sub3A_360, %select_n3A_254 : vector<16xi1>, vector<16xi32>
        %or3A_367 = arith.ori %or3A, %mul3A_364 : vector<16xi32>
        scf.yield %add3A_355, %select_n3A_366, %or3A_367 : vector<16xi32>, vector<16xi32>, vector<16xi32>
      }
      %scan3A_106 = arith.constant 16 : i32
      %broadcast_in_dim3A_107 = arith.constant 128 : i32
      %broadcast_in_dim3A_108 = vector.broadcast %broadcast_in_dim3A_107 : i32 to vector<16xi32>
      %xor3A = arith.xori %scan3A_105#1, %broadcast_in_dim3A_108 : vector<16xi32>
      %shift_left3A = arith.constant 24 : i32
      %shift_left3A_109 = vector.broadcast %shift_left3A : i32 to vector<16xi32>
      %shift_left3A_110 = arith.shli %xor3A, %shift_left3A_109 : vector<16xi32>
      %parallel_loop3A_111 = arith.constant 0 : i32
      %parallel_loop3A_112 = arith.constant 272 : i32
      %parallel_loop3A_113 = arith.constant 16 : i32
      scf.for %parallel_loop3A_149 = %parallel_loop3A_111 to %parallel_loop3A_112 step %parallel_loop3A_113  : i32 {
        %parallel_loop3A_150 = arith.index_cast %parallel_loop3A_149 : i32 to index
        %parallel_loop3A_151 = tpu.vector_load %arg7[%parallel_loop3A_150] {strides = array<i32>} : memref<8208xi32, #tpu.memory_space<vmem>>, vector<16xi32>,
        tpu.vector_store %arg7[%parallel_loop3A_150], %broadcast_in_dim3A_55 {strides = array<i32>} : memref<8208xi32, #tpu.memory_space<vmem>>, vector<16xi32>,
      } {sc.loop_unroll_factor = 8 : i64, sc.parallel_access}
      %parallel_loop3A_114 = arith.constant 0 : i32
      %parallel_loop3A_115 = arith.constant 8192 : i32
      %parallel_loop3A_116 = arith.constant 16 : i32
      %parallel_loop3A_117 = scf.for %parallel_loop3A_149 = %parallel_loop3A_114 to %parallel_loop3A_115 step %parallel_loop3A_116 iter_args(%parallel_loop3A_150 = %broadcast_in_dim3A_49) -> (vector<16xi32>)  : i32 {
        %parallel_loop3A_151 = arith.addi %mul3A_95, %parallel_loop3A_149 : i32
        %parallel_loop3A_152 = arith.index_cast %parallel_loop3A_151 : i32 to index
        %parallel_loop3A_153 = tpu.vector_load %arg4[%parallel_loop3A_152] {strides = array<i32>} : memref<16384xf32, #tpu.memory_space<vmem>>, vector<16xf32>,
        %parallel_loop3A_154 = tpu.bitcast %parallel_loop3A_153 : vector<16xf32> -> vector<16xi32>
        %parallel_loop3A_155 = arith.constant 31 : i32
        %parallel_loop3A_156 = vector.broadcast %parallel_loop3A_155 : i32 to vector<16xi32>
        %parallel_loop3A_157 = arith.shrsi %parallel_loop3A_154, %parallel_loop3A_156 : vector<16xi32>
        %parallel_loop3A_158 = vector.broadcast %scan3A : i32 to vector<16xi32>
        %parallel_loop3A_159 = arith.andi %parallel_loop3A_157, %parallel_loop3A_158 : vector<16xi32>
        %parallel_loop3A_160 = arith.xori %parallel_loop3A_154, %parallel_loop3A_159 : vector<16xi32>
        %parallel_loop3A_161 = arith.cmpi sge, %parallel_loop3A_160, %shift_left3A_110 : vector<16xi32>
        %parallel_loop3A_162 = arith.select %parallel_loop3A_161, %broadcast_in_dim3A_51, %broadcast_in_dim3A_49 : vector<16xi1>, vector<16xi32>
        %parallel_loop3A_163 = arith.constant true
        %parallel_loop3A_164 = vector.broadcast %parallel_loop3A_163 : i1 to vector<16xi1>
        %parallel_loop3A_165 = tpu.scan <sum>, %parallel_loop3A_162 masked %parallel_loop3A_164 : vector<16xi32>, vector<16xi1> -> vector<16xi32>
        %parallel_loop3A_166 = arith.addi %parallel_loop3A_150, %parallel_loop3A_165 : vector<16xi32>
        %parallel_loop3A_167 = arith.subi %parallel_loop3A_166, %broadcast_in_dim3A_51 : vector<16xi32>
        tpu.vector_store_idx %arg7[%parallel_loop3A_167], %parallel_loop3A_160 masked %parallel_loop3A_161 : memref<8208xi32, #tpu.memory_space<vmem>>[vector<16xi32>], vector<16xi32>, vector<16xi1>
        %parallel_loop3A_168 = tpu.all_reduce %parallel_loop3A_161 {dim = 0 : i64, kind = #tpu.reduction_kind<sum>} : vector<16xi1> -> vector<16xi32>
        %parallel_loop3A_169 = arith.addi %parallel_loop3A_150, %parallel_loop3A_168 : vector<16xi32>
        scf.yield %parallel_loop3A_169 : vector<16xi32>
      } {sc.loop_unroll_factor = 16 : i64, sc.parallel_access}
      %add3A_118 = arith.addi %parallel_loop3A_117, %iota3A : vector<16xi32>
      tpu.vector_store_idx %arg7[%add3A_118], %broadcast_in_dim3A_55 : memref<8208xi32, #tpu.memory_space<vmem>>[vector<16xi32>], vector<16xi32>,
      %slice3A = vector.extract_strided_slice %parallel_loop3A_117 {offsets = [0], sizes = [1], strides = [1]} : vector<16xi32> to vector<1xi32>
      %squeeze3A = vector.extract %slice3A[0] : i32 from vector<1xi32>
      %add3A_119 = arith.constant 15 : i32
      %add3A_120 = arith.addi %squeeze3A, %add3A_119 : i32
      %div3A = arith.constant 16 : i32
      %div3A_121 = arith.divsi %add3A_120, %div3A : i32
      %broadcast_in_dim3A_122 = arith.constant 2 : i32
      %broadcast_in_dim3A_123 = vector.broadcast %broadcast_in_dim3A_122 : i32 to vector<16xi32>
      %broadcast_in_dim3A_124 = arith.constant 3 : i32
      %broadcast_in_dim3A_125 = vector.broadcast %broadcast_in_dim3A_124 : i32 to vector<16xi32>
      %scan3A_126 = arith.constant 0 : i32
      %scan3A_127 = arith.constant 12 : i32
      %scan3A_128 = arith.addi %scan3A_126, %scan3A_127 : i32
      %scan3A_129 = arith.constant 1 : i32
      %scan3A_130 = scf.for %scan3A_149 = %scan3A_126 to %scan3A_128 step %scan3A_129 iter_args(%scan3A_150 = %shift_left3A_110) -> (vector<16xi32>)  : i32 {
        %mul3A_151 = arith.constant 2 : i32
        %mul3A_152 = arith.muli %mul3A_151, %scan3A_149 : i32
        %sub3A = arith.constant 22 : i32
        %sub3A_153 = arith.subi %sub3A, %mul3A_152 : i32
        %broadcast_in_dim3A_154 = vector.broadcast %sub3A_153 : i32 to vector<16xi32>
        %shift_left3A_155 = arith.shli %broadcast_in_dim3A_51, %broadcast_in_dim3A_154 : vector<16xi32>
        %add3A_156 = arith.addi %scan3A_150, %shift_left3A_155 : vector<16xi32>
        %shift_left3A_157 = arith.shli %broadcast_in_dim3A_123, %broadcast_in_dim3A_154 : vector<16xi32>
        %add3A_158 = arith.addi %scan3A_150, %shift_left3A_157 : vector<16xi32>
        %shift_left3A_159 = arith.shli %broadcast_in_dim3A_125, %broadcast_in_dim3A_154 : vector<16xi32>
        %add3A_160 = arith.addi %scan3A_150, %shift_left3A_159 : vector<16xi32>
        %parallel_loop3A_161 = arith.constant 0 : i32
        %parallel_loop3A_162 = arith.constant 256 : i32
        %parallel_loop3A_163 = arith.constant 16 : i32
        %parallel_loop3A_164:3 = scf.for %parallel_loop3A_179 = %parallel_loop3A_161 to %parallel_loop3A_162 step %parallel_loop3A_163 iter_args(%parallel_loop3A_180 = %broadcast_in_dim3A_49, %parallel_loop3A_181 = %broadcast_in_dim3A_49, %parallel_loop3A_182 = %broadcast_in_dim3A_49) -> (vector<16xi32>, vector<16xi32>, vector<16xi32>)  : i32 {
          %parallel_loop3A_183 = arith.index_cast %parallel_loop3A_179 : i32 to index
          %parallel_loop3A_184 = tpu.vector_load %arg7[%parallel_loop3A_183] {strides = array<i32>} : memref<8208xi32, #tpu.memory_space<vmem>>, vector<16xi32>,
          %parallel_loop3A_185 = arith.cmpi sge, %parallel_loop3A_184, %add3A_156 : vector<16xi32>
          %parallel_loop3A_186 = tpu.all_reduce %parallel_loop3A_185 {dim = 0 : i64, kind = #tpu.reduction_kind<sum>} : vector<16xi1> -> vector<16xi32>
          %parallel_loop3A_187 = arith.addi %parallel_loop3A_180, %parallel_loop3A_186 : vector<16xi32>
          %parallel_loop3A_188 = arith.cmpi sge, %parallel_loop3A_184, %add3A_158 : vector<16xi32>
          %parallel_loop3A_189 = tpu.all_reduce %parallel_loop3A_188 {dim = 0 : i64, kind = #tpu.reduction_kind<sum>} : vector<16xi1> -> vector<16xi32>
          %parallel_loop3A_190 = arith.addi %parallel_loop3A_181, %parallel_loop3A_189 : vector<16xi32>
          %parallel_loop3A_191 = arith.cmpi sge, %parallel_loop3A_184, %add3A_160 : vector<16xi32>
          %parallel_loop3A_192 = tpu.all_reduce %parallel_loop3A_191 {dim = 0 : i64, kind = #tpu.reduction_kind<sum>} : vector<16xi1> -> vector<16xi32>
          %parallel_loop3A_193 = arith.addi %parallel_loop3A_182, %parallel_loop3A_192 : vector<16xi32>
          scf.yield %parallel_loop3A_187, %parallel_loop3A_190, %parallel_loop3A_193 : vector<16xi32>, vector<16xi32>, vector<16xi32>
        } {sc.loop_unroll_factor = 2 : i64, sc.parallel_access}
        %while3A = arith.constant 16 : i32
        %while3A_165 = arith.subi %div3A_121, %while3A : i32
        %while3A_166 = arith.addi %while3A, %while3A_165 : i32
        %while3A_167 = arith.constant 1 : i32
        %while3A_168 = arith.divsi %while3A_165, %while3A_167 : i32
        %while3A_169 = arith.muli %while3A_168, %while3A_167 : i32
        %while3A_170 = arith.addi %while3A, %while3A_169 : i32
        %while3A_171 = arith.constant 1 : i32
        %while3A_172:3 = scf.for %while3A_179 = %while3A to %while3A_170 step %while3A_171 iter_args(%while3A_180 = %parallel_loop3A_164#0, %while3A_181 = %parallel_loop3A_164#1, %while3A_182 = %parallel_loop3A_164#2) -> (vector<16xi32>, vector<16xi32>, vector<16xi32>)  : i32 {
          %mul3A_183 = arith.constant 16 : i32
          %mul3A_184 = arith.muli %while3A_179, %mul3A_183 : i32
          %get3A = arith.index_cast %mul3A_184 : i32 to index
          %get3A_185 = tpu.vector_load %arg7[%get3A] {strides = array<i32>} : memref<8208xi32, #tpu.memory_space<vmem>>, vector<16xi32>,
          %ge3A_186 = arith.cmpi sge, %get3A_185, %add3A_156 : vector<16xi32>
          %all_reduce_population_count3A = tpu.all_reduce %ge3A_186 {dim = 0 : i64, kind = #tpu.reduction_kind<sum>} : vector<16xi1> -> vector<16xi32>
          %add3A_187 = arith.addi %while3A_180, %all_reduce_population_count3A : vector<16xi32>
          %ge3A_188 = arith.cmpi sge, %get3A_185, %add3A_158 : vector<16xi32>
          %all_reduce_population_count3A_189 = tpu.all_reduce %ge3A_188 {dim = 0 : i64, kind = #tpu.reduction_kind<sum>} : vector<16xi1> -> vector<16xi32>
          %add3A_190 = arith.addi %while3A_181, %all_reduce_population_count3A_189 : vector<16xi32>
          %ge3A_191 = arith.cmpi sge, %get3A_185, %add3A_160 : vector<16xi32>
          %all_reduce_population_count3A_192 = tpu.all_reduce %ge3A_191 {dim = 0 : i64, kind = #tpu.reduction_kind<sum>} : vector<16xi1> -> vector<16xi32>
          %add3A_193 = arith.addi %while3A_182, %all_reduce_population_count3A_192 : vector<16xi32>
          scf.yield %add3A_187, %add3A_190, %add3A_193 : vector<16xi32>, vector<16xi32>, vector<16xi32>
        }
        %while3A_173 = arith.constant 1 : i32
        %while3A_174:3 = scf.for %while3A_179 = %while3A_170 to %while3A_166 step %while3A_173 iter_args(%while3A_180 = %while3A_172#0, %while3A_181 = %while3A_172#1, %while3A_182 = %while3A_172#2) -> (vector<16xi32>, vector<16xi32>, vector<16xi32>)  : i32 {
          %mul3A_183 = arith.constant 16 : i32
          %mul3A_184 = arith.muli %while3A_179, %mul3A_183 : i32
          %get3A = arith.index_cast %mul3A_184 : i32 to index
          %get3A_185 = tpu.vector_load %arg7[%get3A] {strides = array<i32>} : memref<8208xi32, #tpu.memory_space<vmem>>, vector<16xi32>,
          %ge3A_186 = arith.cmpi sge, %get3A_185, %add3A_156 : vector<16xi32>
          %all_reduce_population_count3A = tpu.all_reduce %ge3A_186 {dim = 0 : i64, kind = #tpu.reduction_kind<sum>} : vector<16xi1> -> vector<16xi32>
          %add3A_187 = arith.addi %while3A_180, %all_reduce_population_count3A : vector<16xi32>
          %ge3A_188 = arith.cmpi sge, %get3A_185, %add3A_158 : vector<16xi32>
          %all_reduce_population_count3A_189 = tpu.all_reduce %ge3A_188 {dim = 0 : i64, kind = #tpu.reduction_kind<sum>} : vector<16xi1> -> vector<16xi32>
          %add3A_190 = arith.addi %while3A_181, %all_reduce_population_count3A_189 : vector<16xi32>
          %ge3A_191 = arith.cmpi sge, %get3A_185, %add3A_160 : vector<16xi32>
          %all_reduce_population_count3A_192 = tpu.all_reduce %ge3A_191 {dim = 0 : i64, kind = #tpu.reduction_kind<sum>} : vector<16xi1> -> vector<16xi32>
          %add3A_193 = arith.addi %while3A_182, %all_reduce_population_count3A_192 : vector<16xi32>
          scf.yield %add3A_187, %add3A_190, %add3A_193 : vector<16xi32>, vector<16xi32>, vector<16xi32>
        }
        %ge3A = arith.cmpi sge, %while3A_174#0, %broadcast_in_dim3A_53 : vector<16xi32>
        %select_n3A = arith.select %ge3A, %add3A_156, %scan3A_150 : vector<16xi1>, vector<16xi32>
        %ge3A_175 = arith.cmpi sge, %while3A_174#1, %broadcast_in_dim3A_53 : vector<16xi32>
        %select_n3A_176 = arith.select %ge3A_175, %add3A_158, %select_n3A : vector<16xi1>, vector<16xi32>
        %ge3A_177 = arith.cmpi sge, %while3A_174#2, %broadcast_in_dim3A_53 : vector<16xi32>
        %select_n3A_178 = arith.select %ge3A_177, %add3A_160, %select_n3A_176 : vector<16xi1>, vector<16xi32>
        scf.yield %select_n3A_178 : vector<16xi32>
      }
      %scan3A_131 = arith.constant 12 : i32
      %shift_right_arithmetic3A = arith.constant 31 : i32
      %shift_right_arithmetic3A_132 = vector.broadcast %shift_right_arithmetic3A : i32 to vector<16xi32>
      %shift_right_arithmetic3A_133 = arith.shrsi %scan3A_130, %shift_right_arithmetic3A_132 : vector<16xi32>
      %and3A = vector.broadcast %scan3A : i32 to vector<16xi32>
      %and3A_134 = arith.andi %shift_right_arithmetic3A_133, %and3A : vector<16xi32>
      %xor3A_135 = arith.xori %scan3A_130, %and3A_134 : vector<16xi32>
      %bitcast_convert_type3A = tpu.bitcast %xor3A_135 : vector<16xi32> -> vector<16xf32>
      %parallel_loop3A_136 = arith.constant 0 : i32
      %parallel_loop3A_137 = arith.constant 8192 : i32
      %parallel_loop3A_138 = arith.constant 16 : i32
      scf.for %parallel_loop3A_149 = %parallel_loop3A_136 to %parallel_loop3A_137 step %parallel_loop3A_138  : i32 {
        %parallel_loop3A_150 = arith.addi %mul3A_95, %parallel_loop3A_149 : i32
        %parallel_loop3A_151 = arith.index_cast %parallel_loop3A_150 : i32 to index
        %parallel_loop3A_152 = tpu.vector_load %arg4[%parallel_loop3A_151] {strides = array<i32>} : memref<16384xf32, #tpu.memory_space<vmem>>, vector<16xf32>,
        %parallel_loop3A_153 = arith.cmpf ogt, %parallel_loop3A_152, %bitcast_convert_type3A : vector<16xf32>
        %parallel_loop3A_154 = arith.select %parallel_loop3A_153, %parallel_loop3A_152, %broadcast_in_dim3A_57 : vector<16xi1>, vector<16xf32>
        %parallel_loop3A_155 = arith.addi %mul3A_95, %parallel_loop3A_149 : i32
        %parallel_loop3A_156 = arith.index_cast %parallel_loop3A_155 : i32 to index
        %parallel_loop3A_157 = tpu.vector_load %arg5[%parallel_loop3A_156] {strides = array<i32>} : memref<16384xf32, #tpu.memory_space<vmem>>, vector<16xf32>,
        tpu.vector_store %arg5[%parallel_loop3A_156], %parallel_loop3A_154 {strides = array<i32>} : memref<16384xf32, #tpu.memory_space<vmem>>, vector<16xf32>,
      } {sc.loop_unroll_factor = 8 : i64, sc.parallel_access}
      %add3A_139 = arith.addi %mul3A_2, %scan3A_92 : i32
      %dma_start3A_140 = tpu.memref_slice %arg5[%mul3A_95] : memref<16384xf32, #tpu.memory_space<vmem>> -> memref<8192xf32, #tpu.memory_space<vmem>>
      %dma_start3A_141 = arith.constant 0 : i32
      %dma_start3A_142 = tpu.memref_slice %arg3[%add3A_139, %dma_start3A_141] : memref<64x8192xf32, #tpu.memory_space<hbm>> -> memref<1x8192xf32, #tpu.memory_space<hbm>>
      %dma_start3A_143 = tpu.memref_squeeze %dma_start3A_142 : memref<1x8192xf32, #tpu.memory_space<hbm>> -> memref<8192xf32, #tpu.memory_space<hbm>>
      %dma_start3A_144 = arith.constant 0 : i32
      %dma_start3A_145 = tpu.memref_slice %arg3[%add3A_139, %dma_start3A_144] : memref<64x8192xf32, #tpu.memory_space<hbm>> -> memref<1x8192xf32, #tpu.memory_space<hbm>>
      %dma_start3A_146 = tpu.memref_squeeze %dma_start3A_145 : memref<1x8192xf32, #tpu.memory_space<hbm>> -> memref<8192xf32, #tpu.memory_space<hbm>>
      %dma_start3A_147 = tpu.memref_slice %arg5[%mul3A_95] : memref<16384xf32, #tpu.memory_space<vmem>> -> memref<8192xf32, #tpu.memory_space<vmem>>
      tpu.enqueue_dma source(%dma_start3A_147 : memref<8192xf32, #tpu.memory_space<vmem>>) target(%dma_start3A_146 : memref<8192xf32, #tpu.memory_space<hbm>>) target_semaphore(%arg9 : memref<!tpu.dma_semaphore, #tpu.memory_space<semaphore_mem>>)
      %scan3A_148 = arith.constant 0 : i32
      scf.yield %scan3A_148 : i32
    }
    %scan3A_67 = arith.constant 2 : i32
    %add3A_68 = arith.constant 0 : i32
    %add3A_69 = arith.addi %mul3A_2, %add3A_68 : i32
    %dma_wait3A_70 = arith.constant 0 : i32
    %dma_wait3A_71 = tpu.memref_slice %arg5[%dma_wait3A_70] : memref<16384xf32, #tpu.memory_space<vmem>> -> memref<8192xf32, #tpu.memory_space<vmem>>
    %dma_wait3A_72 = arith.constant 0 : i32
    %dma_wait3A_73 = tpu.memref_slice %arg3[%add3A_69, %dma_wait3A_72] : memref<64x8192xf32, #tpu.memory_space<hbm>> -> memref<1x8192xf32, #tpu.memory_space<hbm>>
    %dma_wait3A_74 = tpu.memref_squeeze %dma_wait3A_73 : memref<1x8192xf32, #tpu.memory_space<hbm>> -> memref<8192xf32, #tpu.memory_space<hbm>>
    %dma_wait3A_75 = arith.constant 0 : i32
    %dma_wait3A_76 = tpu.memref_slice %arg3[%add3A_69, %dma_wait3A_75] : memref<64x8192xf32, #tpu.memory_space<hbm>> -> memref<1x8192xf32, #tpu.memory_space<hbm>>
    %dma_wait3A_77 = tpu.memref_squeeze %dma_wait3A_76 : memref<1x8192xf32, #tpu.memory_space<hbm>> -> memref<8192xf32, #tpu.memory_space<hbm>>
    %dma_wait3A_78 = arith.constant 0 : i32
    %dma_wait3A_79 = tpu.memref_slice %arg5[%dma_wait3A_78] : memref<16384xf32, #tpu.memory_space<vmem>> -> memref<8192xf32, #tpu.memory_space<vmem>>
    tpu.wait_dma2 semaphore(%arg9 : memref<!tpu.dma_semaphore, #tpu.memory_space<semaphore_mem>>) src(%dma_wait3A_79 : memref<8192xf32, #tpu.memory_space<vmem>>) dst(%dma_wait3A_77 : memref<8192xf32, #tpu.memory_space<hbm>>)
    %add3A_80 = arith.constant 1 : i32
    %add3A_81 = arith.addi %mul3A_2, %add3A_80 : i32
    %dma_wait3A_82 = arith.constant 8192 : i32
    %dma_wait3A_83 = tpu.memref_slice %arg5[%dma_wait3A_82] : memref<16384xf32, #tpu.memory_space<vmem>> -> memref<8192xf32, #tpu.memory_space<vmem>>
    %dma_wait3A_84 = arith.constant 0 : i32
    %dma_wait3A_85 = tpu.memref_slice %arg3[%add3A_81, %dma_wait3A_84] : memref<64x8192xf32, #tpu.memory_space<hbm>> -> memref<1x8192xf32, #tpu.memory_space<hbm>>
    %dma_wait3A_86 = tpu.memref_squeeze %dma_wait3A_85 : memref<1x8192xf32, #tpu.memory_space<hbm>> -> memref<8192xf32, #tpu.memory_space<hbm>>
    %dma_wait3A_87 = arith.constant 0 : i32
    %dma_wait3A_88 = tpu.memref_slice %arg3[%add3A_81, %dma_wait3A_87] : memref<64x8192xf32, #tpu.memory_space<hbm>> -> memref<1x8192xf32, #tpu.memory_space<hbm>>
    %dma_wait3A_89 = tpu.memref_squeeze %dma_wait3A_88 : memref<1x8192xf32, #tpu.memory_space<hbm>> -> memref<8192xf32, #tpu.memory_space<hbm>>
    %dma_wait3A_90 = arith.constant 8192 : i32
    %dma_wait3A_91 = tpu.memref_slice %arg5[%dma_wait3A_90] : memref<16384xf32, #tpu.memory_space<vmem>> -> memref<8192xf32, #tpu.memory_space<vmem>>
    tpu.wait_dma2 semaphore(%arg9 : memref<!tpu.dma_semaphore, #tpu.memory_space<semaphore_mem>>) src(%dma_wait3A_91 : memref<8192xf32, #tpu.memory_space<vmem>>) dst(%dma_wait3A_89 : memref<8192xf32, #tpu.memory_space<hbm>>)
    return
  }
}

</mosaic_0001>

<sc_bundles>
// kernel: kernel.3.cloned.1.call-start
scs
__scs_entry_jumppad:
0x0: {  	(pc) =	sbr.rel $0x88, $3  }
0x1: {  	(tag) =	ssettag $0x0;
	lr =	simm.s32 $0x1  }
0x2: {  	[smem:$0x3FA0] =	sst lr;
	_ =	strace $0xD0000000  }
0x3: {  	_ = 	snop  }
0x4: {  	_ = 	snop  }
0x5: {  	_ = 	snop  }
0x6: {  	_ = 	snop  }
0x7: {  	_ = 	snop  }
__scs_overlays_trampoline_lowered:
0x8: {  	[smem:$0x3FAF] =	sst s0  }
0x9: {  	[smem:$0x3FB0] =	sst s1  }
0xa: {  	[smem:$0x3FB1] =	sst s2  }
0xb: {  	[smem:$0x3FB2] =	sst s3  }
0xc: {  	[smem:$0x3FB3] =	sst s4  }
0xd: {  	[smem:$0x3FB4] =	sst s5  }
0xe: {  	[smem:$0x3FB5] =	sst s6  }
0xf: {  	[smem:$0x3FB6] =	sst s7  }
0x10: {  	[smem:$0x3FB7] =	sst s8  }
0x11: {  	[smem:$0x3FB8] =	sst s9;
	s0 =	simm.s32 @!p0 $0x0  }
0x12: {  	s1 =	sld [smem:$0x3F9E];
	s0 =	simm.s32 @p0 $0x1  }
0x13: {  	[smem:$0x3FB9] =	sst s0;
	s0 =	simm.s32 @!p1 $0x0  }
0x14: {  	s2 =	sld [smem:$0x3F9D];
	s0 =	simm.s32 @p1 $0x1  }
0x15: {  	[smem:$0x3FBA] =	sst s0;
	s0 =	simm.s32 @!p2 $0x0  }
0x16: {  	s3 =	sld [smem:$0x3FDB];
	s0 =	simm.s32 @p2 $0x1  }
0x17: {  	s4 =	simm.s32 $0x1BF5;
	[smem:$0x3FBC] =	sst s0  }
0x18: {  	s0 =	sld [smem:$0x3F9F];
	_ =	swait.ge [sflag:s4], $0x0  }
0x19: {  	s7 =	sld [smem:$0x3FA0]  }
0x1a: {  	s8 =	sadd.s32 $0xFFFFE003, lr  }
0x1b: {  	s9 =	sadd.s32 $0xFFFFFEF7, lr;
	s5 =	simm.s32 $0xFFFFFFFF;
	p2 =	slt.u32 s8, $0xFFFFF086  }
0x1c: {  	p1 =	slt.u32 s9, $0xF7A;
	s5 =	simm.s32 @!p2 $0x0  }
0x1d: {  	s5 =	simm.s32 @p1 $0x1;
	p0 =	seq.s32 s7, s2  }
0x1e: {  	s7 =	smul.u32 @!p0 $0xF7A, s2;
	p2 =	seq.s32 @!p0 s5, $0x0  }
0x1f: {  	s9 =	smul.u32 $0xF7A, s1;
	s8 =	simm.s32 @!p0 $0x1BF5;
	p2 =	por !p2, p0  }
0x20: {  	[sflag:s8] =	ssyncset.s32 @!p0 $0xFFFFF086;
	s6 =	sadd.s32 @!p0 s3, s7;
	s7 =	simm.s32 @!p0 $0x108  }
0x21: {  	s3 =	sadd.s32 s3, s9;
	s6 =	sadd.s32 @!p0 $0x88, s6;
	s7 =	simm.s32 @p2 $0x1082  }
0x22: {  	[simem:s7], [sflag:s8] =	dma.local @!p0 [hbm:s6], $0xF7A  }
0x23: {  	s9 =	sor.u32 $0xD0000000, s2;
	s6 =	simm.s32 $0x108;
	_ =	swait.ge @!p0 [sflag:s8], $0x0  }
0x24: {  	s3 =	sadd.s32 $0x88, s3;
	s6 =	simm.s32 @!p1 $0x1082;
	[sflag:s4] =	ssyncset.s32 $0xFFFFF086  }
0x25: {  	[simem:s6], [sflag:s4] =	dma.local [hbm:s3], $0xF7A  }
0x26: {  	[smem:$0x3FA0] =	sst s1;
	(tag) =	ssettag s2;
	_ =	strace s9  }
0x27: {  	s1 =	sld [smem:$0x3FB0]  }
0x28: {  	s2 =	sld [smem:$0x3FB1]  }
0x29: {  	s4 =	sld [smem:$0x3FB3]  }
0x2a: {  	p0 =	seq.s32 s5, $0x0;
	s5 =	sld [smem:$0x3FB4]  }
0x2b: {  	s6 =	sld [smem:$0x3FB5]  }
0x2c: {  	s7 =	sld [smem:$0x3FB6]  }
0x2d: {  	s3 =	simm.s32 $0x108;
	s8 =	sld [smem:$0x3FB7]  }
0x2e: {  	s3 =	simm.s32 @!p0 $0x1082;
	s9 =	sld [smem:$0x3FB8]  }
0x2f: {  	lr =	sadd.s32 s0, s3;
	s0 =	sld [smem:$0x3FAF]  }
0x30: {  	s3 =	sld [smem:$0x3FB2]  }
0x31: {  	[smem:$0x3FBB] =	sst s10  }
0x32: {  	s10 =	sld [smem:$0x3FB9];
	_ =	sdelay $0x3  }
0x33: {  	p0 =	seq.s32 s10, $0x1;
	s10 =	sld [smem:$0x3FBB];
	_ =	sdelay $0x3  }
0x34: {  	[smem:$0x3FBB] =	sst s10  }
0x35: {  	s10 =	sld [smem:$0x3FBA];
	_ =	sdelay $0x3  }
0x36: {  	p1 =	seq.s32 s10, $0x1;
	s10 =	sld [smem:$0x3FBB];
	_ =	sdelay $0x3  }
0x37: {  	[smem:$0x3FBB] =	sst s10  }
0x38: {  	s10 =	sld [smem:$0x3FBC]  }
0x39: {  	_ = 	snop;
	(pc) =	sbr.ind lr, $3  }
0x3a: {  	_ = 	snop  }
0x3b: {  	_ = 	snop  }
0x3c: {  	p2 =	seq.s32 s10, $0x1;
	s10 =	sld [smem:$0x3FBB]  }
0x3d: {  	_ =	shalt  }
0x3e: {  	_ =	shalt  }
0x3f: {  	_ =	shalt  }
0x40: {  	_ =	shalt  }
0x41: {  	_ =	shalt  }
0x42: {  	_ =	shalt  }
0x43: {  	_ =	shalt  }
0x44: {  	_ =	shalt  }
0x45: {  	_ =	shalt  }
0x46: {  	_ =	shalt  }
0x47: {  	_ =	shalt  }
0x48: {  	_ =	shalt  }
0x49: {  	_ =	shalt  }
0x4a: {  	_ =	shalt  }
0x4b: {  	_ =	shalt  }
0x4c: {  	_ =	shalt  }
0x4d: {  	_ =	shalt  }
0x4e: {  	_ =	shalt  }
0x4f: {  	_ =	shalt  }
0x50: {  	_ =	shalt  }
0x51: {  	_ =	shalt  }
0x52: {  	_ =	shalt  }
0x53: {  	_ =	shalt  }
0x54: {  	_ =	shalt  }
0x55: {  	_ =	shalt  }
0x56: {  	_ =	shalt  }
0x57: {  	_ =	shalt  }
0x58: {  	_ =	shalt  }
0x59: {  	_ =	shalt  }
0x5a: {  	_ =	shalt  }
0x5b: {  	_ =	shalt  }
0x5c: {  	_ =	shalt  }
0x5d: {  	_ =	shalt  }
0x5e: {  	_ =	shalt  }
0x5f: {  	_ =	shalt  }
0x60: {  	_ =	shalt  }
0x61: {  	_ =	shalt  }
0x62: {  	_ =	shalt  }
0x63: {  	_ =	shalt  }
0x64: {  	_ =	shalt  }
0x65: {  	_ =	shalt  }
0x66: {  	_ =	shalt  }
0x67: {  	_ =	shalt  }
0x68: {  	_ =	shalt  }
0x69: {  	_ =	shalt  }
0x6a: {  	_ =	shalt  }
0x6b: {  	_ =	shalt  }
0x6c: {  	_ =	shalt  }
0x6d: {  	_ =	shalt  }
0x6e: {  	_ =	shalt  }
0x6f: {  	_ =	shalt  }
0x70: {  	_ =	shalt  }
0x71: {  	_ =	shalt  }
0x72: {  	_ =	shalt  }
0x73: {  	_ =	shalt  }
0x74: {  	_ =	shalt  }
0x75: {  	_ =	shalt  }
0x76: {  	_ =	shalt  }
0x77: {  	_ =	shalt  }
0x78: {  	_ =	shalt  }
0x79: {  	_ =	shalt  }
0x7a: {  	_ =	shalt  }
0x7b: {  	_ =	shalt  }
0x7c: {  	_ =	shalt  }
0x7d: {  	_ =	shalt  }
0x7e: {  	_ =	shalt  }
0x7f: {  	_ =	shalt  }
0x80: {  	_ =	shalt  }
0x81: {  	_ =	shalt  }
0x82: {  	_ =	shalt  }
0x83: {  	_ =	shalt  }
0x84: {  	_ =	shalt  }
0x85: {  	_ =	shalt  }
0x86: {  	_ =	shalt  }
0x87: {  	_ =	shalt  }
.Lfunc_end0:
.L_simem_size_0:
called_computation_lowered:
.L_overlay_start_0:
0x88: {  	s2 =	sld [smem:$0x3FD9]  }
0x89: {  	s3 =	sld [smem:$0x3FFE];
	_ =	sdelay $0x1  }
0x8a: {  	s1 =	srdreg.scid  }
0x8b: {  	s0 =	sand.u32 $0x1, s1  }
0x8c: {  	s18 =	sshll.u32 s0, $0xA;
	s2 =	sadd.s32 s3, s2  }
0x8d: {  	s2 =	sadd.s32 s2, s18  }
0x8e: {  	[smem:$0x3FC7] =	sst s2  }
0x8f: {  	_ = 	snop  }
0x90: {  	s2 =	sld [smem:$0x3FC9]  }
0x91: {  	s19 =	sld [smem:$0x3FD0];
	(tm) =	ssettm $0x1  }
0x92: {  	s4 =	sld [smem:$0x3FFB];
	_ =	sdelay $0x3  }
0x93: {  	_ =	strace s4  }
0x94: {  	s4 =	sld [smem:$0x3FFC];
	_ =	sdelay $0x3  }
0x95: {  	_ =	strace s4  }
0x96: {  	s4 =	sld [smem:$0x3FFD];
	_ =	sdelay $0x3  }
0x97: {  	_ =	strace s4  }
0x98: {  	_ =	strace $0x8FFFFFFF  }
0x99: {  	s20 =	sld [smem:$0x3FDB];
	_ =	sdelay $0x1  }
0x9a: {  	s5 =	simm.s32 $_scs_section_size  }
0x9b: {  	s6 =	simm.s32 $_size__tile_overlayer_lowered;
	s7 =	simm.s32 $_tile_overlayer_lowered  }
0x9c: {  	s23 =	simm.s32 $0x1BFF;
	s22 =	sshll.u32 s7, $0x1;
	s4 =	sadd.s32 s5, s20  }
0x9d: {  	s8 =	simm.s32 $0x0;
	s21 =	sshll.u32 s6, $0x1;
	s6 =	sadd.s32 s22, s4  }
0x9e: {  	[timem:s8], [sflag:s23] =	dma.local [hbm:s6], s21  }
0x9f: {  	_ =	swait.ge [sflag:s23], s21  }
0xa0: {  	s5 =	ssub.s32 $0x0, s21;
	[sflag:s23] =	ssyncset.done $0x0  }
0xa1: {  	[sflag:s23] =	ssyncadd.s32 s5;
	_ =	sdelay $0x1  }
0xa2: {  	s24 =	simm.s32 $0x1B8B  }
0xa3: {  	_ =	swait.ge [sflag:s24], $0x1  }
0xa4: {  	[sflag:s24] =	ssyncset.done $0x0  }
0xa5: {  	s25 =	simm.s32 $0x1B8E;
	[sflag:s24] =	ssyncadd.s32 $0xFFFFFFFF  }
0xa6: {  	s26 =	simm.s32 $execute0_lowered;
	[smem:$0x3FD2] =	sst s25  }
0xa7: {  	s5 =	sshll.u32 s26, $0x1;
	_ =	strace $0x80000046;
	[dreg:$0x1] =	wrdreg $0xFFFFFFFF  }
0xa8: {  	s28 =	simm.s32 $_size_execute0_lowered;
	s4 =	sadd.s32 s4, s5;
	[dreg:$0x0] =	wrdreg $0x0  }
0xa9: {  	s5 =	sshll.u32 s28, $0x1;
	[dreg:$0x2] =	wrdreg s4  }
0xaa: {  	[dreg:$0x3] =	wrdreg s5  }
0xab: {  	[dreg:$0x4] =	wrdreg $0xC0  }
0xac: {  	_ =	task [dreg:s8], $0x5FFFF  }
0xad: {  	[dreg:$0x1] =	wrdreg $0xFFFFFFFF  }
0xae: {  	[dreg:$0x0] =	wrdreg $0x60  }
0xaf: {  	[dreg:$0x2] =	wrdreg s2  }
0xb0: {  	[dreg:$0x3] =	wrdreg s19  }
0xb1: {  	[dreg:$0x4] =	wrdreg $0x9  }
0xb2: {  	_ =	task.clear_ibuf [dreg:s8], $0x5FFFF;
	_ =	strace $0x90000046  }
0xb3: {  	s29 =	simm.s32 $0x9;
	_ =	strace $0x80000048  }
0xb4: {  	_ =	swait.ge [sflag:s29], $0x1  }
0xb5: {  	[sflag:s29] =	ssyncadd.s32 $0xFFFFFFFF  }
0xb6: {  	_ =	strace $0x90000048  }
0xb7: {  	_ =	sfence  }
0xb8: {  	s30 =	sld [smem:$0x0];
	_ =	sdelay $0x2  }
0xb9: {  	s31 =	sshll.u32 s1, $0xD;
	s1 =	sshrl.u32 s1, $0x2  }
0xba: {  	s3 =	sand.u32 $0x4000, s31;
	s1 =	sadd.s32 s1, s30  }
0xbb: {  	s0 =	sor.u32 s3, s0;
	s1 =	sshll.u32 s1, $0x11  }
0xbc: {  	s0 =	sor.u32 s1, s0  }
0xbd: {  	s0 =	sadd.s32 $0x8F2B, s0  }
0xbe: {  	[sflag:s0] =	ssyncadd.remote.s32 $0x1  }
0xbf: {  	_ =	sfence.sel $0xFFFF  }
0xc0: {  	[dreg:$0x0] =	wrdreg $0xFFFFFFFF;
	(pc) =	sbr.abs _section_cstart, $3  }
0xc1: {  	[dreg:$0x1] =	wrdreg $0xFFFFFFFF  }
0xc2: {  	_ =	task.clear_ibuf [dreg:s8], $0x2FFFF;
	_ =	strace $0x9FFFFFFF  }
0xc3: {  	(tm) =	ssettm $0x7FFFFFFF  }
tec
execute0_lowered:
.L_overlay_start_1:
0x0: {  	(tag) =	ssettag $0x1  }
0x1: {  	s1 =	srdreg.scid;
	s4 =	rddreg [dreg:$0x0]  }
0x2: {  	s0 =	stileid.u32;
	s6 =	rddreg [dreg:$0x1];
	s10 =	simm.s32 $0x2000  }
0x3: {  	s11 =	simm.s32 $0x1;
	s12 =	simm.s32 $0x8000;
	s13 =	simm.s32 $0x9000  }
0x4: {  	s14 =	simm.s32 $0x2;
	s15 =	simm.s32 $0x0;
	s5 =	sand.u32 $0x1, s1  }
0x5: {  	s2 =	sshll.u32 s0, $0x2;
	s1 =	rddreg [dreg:$0x2];
	s3 =	sshll.u32 s5, $0x1  }
0x6: {  	s7 =	sshll.u32 s0, $0xC;
	s5 =	ssub.s32 $0x2, s5;
	s2 =	sor.u32 s3, s2  }
0x7: {  	s3 =	simm.s32 $0x0;
	s9 =	sshrl.u32 s5, $0x1;
	s8 =	sshll.u32 s2, $0x4  }
0x8: {  	v0 =	vlaneseq.u32;
	[smem:$0x7FF] =	sst s3;
	s31 =	ssub.s32 s5, s9;
	s8 =	sor.u32 s7, s8  }
0x9: {  	v1 =	vimm.s32 $0x0;
	v2 =	vmul.u32 $0x2, v0;
	v4 =	vmul.u32 $0xFFFFFFFF, v0;
	s9 =	simm.s32 $0x400;
	s7 =	sand.u32 $0xE000, s7;
	s8 =	sand.u32 $0xE060, s8  }
0xa: {  	v3 =	vimm.s32 $0x1;
	v5 =	vimm.s32 $0x80000000;
	v6 =	vimm.s32 $0x2;
	_ =	strace $0x80000047;
	s6 =	sadd.s32 s6, s7;
	s4 =	sadd.s32 s4, s8  }
0xb: {  	v7 =	vimm.s32 $0x3;
	v2 =	vor.u32 $0x1, v2;
	v4 =	vadd.s32 $0xF, v4;
	s7 =	smax.u32 s31, $0x1;
	s8 =	simm.s32 $0x80;
	s5 =	sadd.s32 $0x10, s4  }
.LBB2_1:
0xc: {  	[tilespmem:s3], [sflag:$0x1] =	stream.strided.gather [hbm4b:s4+s8], $0x2000, s9, s8, $0x38;
	[tilespmem:$0xB080] =	vst v63  }
0xd: {  	_ = 	snop  }
0xe: {  	[tilespmem:s10], [sflag:$0x1] =	stream.strided.gather [hbm4b:s5+s8], $0x2000, s9, s8, $0x38;
	[tilespmem:$0xB080] =	vst v63  }
0xf: {  	_ =	swait.ge [sflag:s11], $0x2000  }
0x10: {  	[sflag:s11] =	ssyncset.done $0x0  }
0x11: {  	[sflag:s11] =	ssyncadd.s32 $0xFFFFE000  }
0x12: {  	_ =	swait.ge [sflag:s11], $0x2000  }
0x13: {  	[sflag:s11] =	ssyncset.done $0x0  }
0x14: {  	p1 =	por $0x1, $0x1;
	s16 =	simm.s32 $0x0;
	[sflag:s11] =	ssyncadd.s32 $0xFFFFE000  }
.LBB2_2:
0x15: {  	s17 =	simm.s32 $0x8040  }
0x16: {  	[tilespmem:s17+$0xFFFFFFC0] =	vst v1  }
0x17: {  	[tilespmem:s17+$0x30] =	vst v1  }
0x18: {  	[tilespmem:s17+$0x20] =	vst v1  }
0x19: {  	[tilespmem:s17+$0x10] =	vst v1  }
0x1a: {  	[tilespmem:s17+$0x0] =	vst v1  }
0x1b: {  	[tilespmem:s17+$0xFFFFFFF0] =	vst v1  }
0x1c: {  	p0 =	por p1, p1;
	s18 =	simm.s32 $0x0;
	[tilespmem:s17+$0xFFFFFFE0] =	vst v1  }
.LBB2_3:
0x1d: {  	s18 =	sadd.s32 $0x80, s18;
	[tilespmem:s17+$0xFFFFFFD0] =	vst v1;
	s17 =	sadd.s32 $0x80, s17  }
0x1e: {  	[tilespmem:s17+$0xFFFFFFC0] =	vst v1;
	p1 =	slt.u32 s18, $0xF80  }
0x1f: {  	[tilespmem:s17+$0x30] =	vst v1  }
.Ltmp0:
0x20: {  	[tilespmem:s17+$0x20] =	vst v1;
	(pc) =	sbr.rel @p1 .LBB2_3-.Ltmp0, $4  }
0x21: {  	[tilespmem:s17+$0x10] =	vst v1  }
0x22: {  	[tilespmem:s17+$0x0] =	vst v1  }
0x23: {  	[tilespmem:s17+$0xFFFFFFF0] =	vst v1  }
0x24: {  	[tilespmem:s17+$0xFFFFFFE0] =	vst v1  }
0x25: {  	s31 =	sshll.u32 s16, $0xF  }
0x26: {  	s19 =	sshra.s32 s31, $0x2  }
0x27: {  	[tilespmem:s17+$0xFFFFFFD0] =	vst v1;
	s18 =	sor.u32 $0x40, s19  }
0x28: {  	v8 =	vld [tilespmem:s18+$0x30]  }
0x29: {  	v9 =	vld [tilespmem:s18+$0xFFFFFFD0]  }
0x2a: {  	v10 =	vld [tilespmem:s18+$0xFFFFFFE0]  }
0x2b: {  	v11 =	vld [tilespmem:s18+$0xFFFFFFF0]  }
0x2c: {  	v12 =	vld [tilespmem:s18+$0x0]  }
0x2d: {  	v16 =	vld [tilespmem:s18+$0x20]  }
0x2e: {  	v17 =	vld [tilespmem:s18+$0xFFFFFFC0]  }
0x2f: {  	v13 =	vld [tilespmem:s18+$0x10];
	_ =	sdelay $0x1  }
0x30: {  	v14 =	vshra.s32 v8, $0x1F  }
0x31: {  	v15 =	vshra.s32 v9, $0x1F;
	v18 =	vshra.s32 v10, $0x1F;
	v19 =	vshra.s32 v11, $0x1F  }
0x32: {  	v20 =	vshra.s32 v12, $0x1F;
	v21 =	vshra.s32 v16, $0x1F;
	v22 =	vshra.s32 v17, $0x1F  }
0x33: {  	v23 =	vshrl.u32 v17, $0x1F;
	v24 =	vshrl.u32 v12, $0x1F;
	v25 =	vshrl.u32 v13, $0x1F  }
0x34: {  	v14 =	vxor.u32 v8, v14;
	v8 =	vshrl.u32 v8, $0x1F;
	v15 =	vxor.u32 v9, v15  }
0x35: {  	v20 =	vxor.u32 v12, v20;
	v21 =	vxor.u32 v16, v21;
	v17 =	vxor.u32 v17, v22  }
0x36: {  	v22 =	vshrl.u32 v9, $0x1F;
	v16 =	vshrl.u32 v16, $0x1F;
	v14 =	vshrl.u32 v14, $0x18  }
0x37: {  	v8 =	vxor.u32 v2, v8;
	v17 =	vshrl.u32 v17, $0x18;
	v26 =	vshrl.u32 v15, $0x18  }
0x38: {  	v28 =	vshrl.u32 v20, $0x18;
	v9 =	vshrl.u32 v21, $0x18;
	v20 =	vxor.u32 v2, v22  }
0x39: {  	v14 =	vand.u32 $0x7F, v14;
	v8 =	vshll.u32 v8, $0x7;
	v22 =	vand.u32 $0x7F, v17  }
0x3a: {  	v8 =	vor.u32 v8, v14;
	v14 =	vxor.u32 v10, v18;
	v18 =	vxor.u32 v11, v19  }
0x3b: {  	v19 =	vshra.s32 v13, $0x1F;
	v10 =	vshrl.u32 v10, $0x1F;
	v11 =	vshrl.u32 v11, $0x1F  }
0x3c: {  	v19 =	vxor.u32 v13, v19;
	v27 =	vshrl.u32 v14, $0x18;
	v18 =	vshrl.u32 v18, $0x18  }
0x3d: {  	v14 =	vxor.u32 v2, v23;
	v15 =	vxor.u32 v2, v10;
	v12 =	vxor.u32 v2, v11  }
0x3e: {  	v13 =	vxor.u32 v2, v24;
	v11 =	vxor.u32 v2, v25;
	v10 =	vxor.u32 v2, v16  }
0x3f: {  	s17 =	sshll.u32 s16, $0xD;
	s21 =	simm.s32 $0x0;
	v23 =	vshrl.u32 v19, $0x18;
	v19 =	vand.u32 $0x7F, v26;
	v17 =	vand.u32 $0x7F, v27  }
0x40: {  	s20 =	simm.s32 $0xF0;
	s22 =	simm.s32 $0x88E0;
	s23 =	sadd.s32 $0x80, s18;
	v21 =	vand.u32 $0x7F, v18;
	v18 =	vand.u32 $0x7F, v28;
	v16 =	vand.u32 $0x7F, v23;
	[tilespmem:v8+s12+$0x0] =	vst.idx.add.s32.msk $0xffff, v3  }
.LBB2_5:
0x41: {  	v23 =	vld [tilespmem:s23+$0x30];
	s21 =	sadd.s32 $0x80, s21;
	v8 =	vshll.u32 v14, $0x7;
	v14 =	vshll.u32 v20, $0x7;
	v9 =	vand.u32 $0x7F, v9  }
0x42: {  	v15 =	vshll.u32 v15, $0x7;
	v12 =	vshll.u32 v12, $0x7;
	v13 =	vshll.u32 v13, $0x7;
	v20 =	vld [tilespmem:s23+$0xFFFFFFD0];
	p1 =	slt.u32 s21, $0x1F80  }
0x43: {  	v10 =	vshll.u32 v10, $0x7;
	v22 =	vor.u32 v8, v22;
	v8 =	vshll.u32 v11, $0x7;
	v24 =	vld [tilespmem:s23+$0xFFFFFFE0]  }
0x44: {  	v14 =	vor.u32 v14, v19;
	v15 =	vor.u32 v15, v17;
	v12 =	vor.u32 v12, v21;
	v11 =	vld [tilespmem:s23+$0xFFFFFFF0]  }
0x45: {  	v13 =	vor.u32 v13, v18;
	v9 =	vor.u32 v10, v9;
	v16 =	vor.u32 v8, v16;
	v17 =	vld [tilespmem:s23+$0x0]  }
0x46: {  	v8 =	vimm.s32 $0x0;
	v10 =	vld [tilespmem:s23+$0x10];
	v18 =	vshra.s32 v23, $0x1F  }
0x47: {  	v19 =	vshra.s32 v20, $0x1F;
	v21 =	vld [tilespmem:s23+$0x20];
	v18 =	vxor.u32 v23, v18;
	v23 =	vshrl.u32 v23, $0x1F  }
0x48: {  	v25 =	vld [tilespmem:s23+$0xFFFFFFC0];
	v26 =	vshra.s32 v24, $0x1F;
	v18 =	vshrl.u32 v18, $0x18;
	v23 =	vxor.u32 v2, v23  }
0x49: {  	v27 =	vshra.s32 v11, $0x1F;
	v18 =	vand.u32 $0x7F, v18;
	v23 =	vshll.u32 v23, $0x7;
	[tilespmem:v22+s12+$0x0] =	vst.idx.add.s32.msk $0xffff, v3  }
0x4a: {  	v19 =	vxor.u32 v20, v19;
	v22 =	vshra.s32 v17, $0x1F;
	v18 =	vor.u32 v23, v18;
	[tilespmem:v14+s12+$0x0] =	vst.idx.add.s32.msk $0xffff, v3  }
0x4b: {  	v14 =	vxor.u32 v24, v26;
	v23 =	vxor.u32 v11, v27;
	v26 =	vshra.s32 v10, $0x1F;
	[tilespmem:v15+s12+$0x0] =	vst.idx.add.s32.msk $0xffff, v3  }
0x4c: {  	v15 =	vxor.u32 v17, v22;
	v22 =	vxor.u32 v10, v26;
	v26 =	vshra.s32 v21, $0x1F;
	[tilespmem:v12+s12+$0x0] =	vst.idx.add.s32.msk $0xffff, v3  }
0x4d: {  	v12 =	vshra.s32 v25, $0x1F;
	v27 =	vshrl.u32 v25, $0x1F;
	v26 =	vxor.u32 v21, v26;
	[tilespmem:v13+s12+$0x0] =	vst.idx.add.s32.msk $0xffff, v3  }
0x4e: {  	v24 =	vshrl.u32 v24, $0x1F;
	v13 =	vshrl.u32 v20, $0x1F;
	v12 =	vxor.u32 v25, v12;
	[tilespmem:v16+s12+$0x0] =	vst.idx.add.s32.msk $0xffff, v3  }
0x4f: {  	v11 =	vshrl.u32 v11, $0x1F;
	v10 =	vshrl.u32 v10, $0x1F;
	v16 =	vshrl.u32 v17, $0x1F;
	[tilespmem:v18+s12+$0x0] =	vst.idx.add.s32.msk $0xffff, v3  }
0x50: {  	v17 =	vshrl.u32 v12, $0x18;
	v18 =	vshrl.u32 v19, $0x18;
	v19 =	vshrl.u32 v21, $0x1F;
	[tilespmem:v9+s12+$0x0] =	vst.idx.add.s32.msk $0xffff, v3  }
0x51: {  	v23 =	vshrl.u32 v23, $0x18;
	v25 =	vshrl.u32 v15, $0x18;
	v21 =	vshrl.u32 v14, $0x18  }
.Ltmp1:
0x52: {  	v14 =	vxor.u32 v2, v27;
	v27 =	vshrl.u32 v22, $0x18;
	v9 =	vshrl.u32 v26, $0x18;
	(pc) =	sbr.rel @p1 .LBB2_5-.Ltmp1, $4  }
0x53: {  	v20 =	vxor.u32 v2, v13;
	v15 =	vxor.u32 v2, v24;
	v12 =	vxor.u32 v2, v11  }
0x54: {  	v13 =	vxor.u32 v2, v16;
	v11 =	vxor.u32 v2, v10;
	v10 =	vxor.u32 v2, v19  }
0x55: {  	v22 =	vand.u32 $0x7F, v17;
	v19 =	vand.u32 $0x7F, v18;
	v17 =	vand.u32 $0x7F, v21  }
0x56: {  	s23 =	sadd.s32 $0x80, s23;
	v21 =	vand.u32 $0x7F, v23;
	v18 =	vand.u32 $0x7F, v25;
	v16 =	vand.u32 $0x7F, v27  }
0x57: {  	v14 =	vshll.u32 v14, $0x7  }
0x58: {  	v20 =	vshll.u32 v20, $0x7;
	v14 =	vor.u32 v14, v22  }
0x59: {  	v15 =	vshll.u32 v15, $0x7;
	v19 =	vor.u32 v20, v19  }
0x5a: {  	v12 =	vshll.u32 v12, $0x7;
	v15 =	vor.u32 v15, v17  }
0x5b: {  	v13 =	vshll.u32 v13, $0x7;
	v12 =	vor.u32 v12, v21  }
0x5c: {  	v11 =	vshll.u32 v11, $0x7;
	v13 =	vor.u32 v13, v18  }
0x5d: {  	v9 =	vand.u32 $0x7F, v9;
	v10 =	vshll.u32 v10, $0x7;
	v11 =	vor.u32 v11, v16;
	[tilespmem:v14+s12+$0x0] =	vst.idx.add.s32.msk $0xffff, v3  }
0x5e: {  	v9 =	vor.u32 v10, v9;
	[tilespmem:v19+s12+$0x0] =	vst.idx.add.s32.msk $0xffff, v3  }
0x5f: {  	[tilespmem:v15+s12+$0x0] =	vst.idx.add.s32.msk $0xffff, v3  }
0x60: {  	[tilespmem:v12+s12+$0x0] =	vst.idx.add.s32.msk $0xffff, v3  }
0x61: {  	[tilespmem:v13+s12+$0x0] =	vst.idx.add.s32.msk $0xffff, v3  }
0x62: {  	[tilespmem:v11+s12+$0x0] =	vst.idx.add.s32.msk $0xffff, v3  }
0x63: {  	[tilespmem:v9+s12+$0x0] =	vst.idx.add.s32.msk $0xffff, v3  }
0x64: {  	v11 =	vld [tilespmem:s22+$0x210]  }
0x65: {  	v12 =	vld [tilespmem:s22+$0x300]  }
0x66: {  	v15 =	vld [tilespmem:s22+$0x700]  }
0x67: {  	v14 =	vld [tilespmem:s22+$0x600]  }
0x68: {  	v16 =	vld [tilespmem:s22+$0x500]  }
0x69: {  	v13 =	vld [tilespmem:s22+$0x400]  }
0x6a: {  	v17 =	vld [tilespmem:s22+$0x310]  }
0x6b: {  	v18 =	vld [tilespmem:s22+$0x200]  }
0x6c: {  	v19 =	vld [tilespmem:s22+$0x100]  }
0x6d: {  	v20 =	vld [tilespmem:s22+$0x0]  }
0x6e: {  	v21 =	vld [tilespmem:s22+$0xFFFFFF00]  }
0x6f: {  	v10 =	vld [tilespmem:s22+$0xFFFFFE00]  }
0x70: {  	v9 =	vld [tilespmem:s22+$0xFFFFFD00]  }
0x71: {  	v22 =	vld [tilespmem:s22+$0xFFFFFC00]  }
0x72: {  	v23 =	vld [tilespmem:s22+$0xFFFFFB00]  }
0x73: {  	v24 =	vld [tilespmem:s22+$0xFFFFFA00]  }
0x74: {  	v25 =	vld [tilespmem:s22+$0xFFFFF900]  }
0x75: {  	v26 =	vld [tilespmem:s22+$0xFFFFF800]  }
0x76: {  	v27 =	vld [tilespmem:s22+$0xFFFFF810]  }
0x77: {  	v28 =	vld [tilespmem:s22+$0xFFFFF910]  }
0x78: {  	v29 =	vld [tilespmem:s22+$0xFFFFFA10]  }
0x79: {  	v30 =	vld [tilespmem:s22+$0xFFFFFB10]  }
0x7a: {  	s21 =	simm.s32 $0x88C0;
	v31 =	vld [tilespmem:s22+$0xFFFFFC10]  }
0x7b: {  	v32 =	vld [tilespmem:s21+$0xFFFFFC00]  }
0x7c: {  	v25 =	vadd.s32 v26, v25;
	v26 =	vld [tilespmem:s22+$0xFFFFFD10]  }
0x7d: {  	v24 =	vadd.s32 v24, v25;
	v25 =	vadd.s32 v27, v28;
	v27 =	vld [tilespmem:s22+$0xFFFFFE10]  }
0x7e: {  	v23 =	vadd.s32 v23, v24;
	v24 =	vadd.s32 v29, v25;
	v25 =	vld [tilespmem:s22+$0xFFFFFF10]  }
0x7f: {  	v28 =	vld [tilespmem:s22+$0x10];
	v24 =	vadd.s32 v30, v24;
	v22 =	vadd.s32 v22, v23  }
0x80: {  	v23 =	vadd.s32 v31, v24;
	v24 =	vld [tilespmem:s22+$0x110];
	v22 =	vadd.s32 v9, v22  }
0x81: {  	v33 =	vld [tilespmem:s21+$0xFFFFFA10];
	v23 =	vadd.s32 v26, v23;
	v22 =	vadd.s32 v10, v22  }
0x82: {  	v36 =	vld [tilespmem:s21+$0xFFFFFB10];
	v23 =	vadd.s32 v27, v23;
	v21 =	vadd.s32 v21, v22  }
0x83: {  	v22 =	vadd.s32 v25, v23;
	v23 =	vld [tilespmem:s22+$0x410];
	v20 =	vadd.s32 v20, v21  }
0x84: {  	v21 =	vadd.s32 v28, v22;
	v22 =	vld [tilespmem:s22+$0x510];
	v19 =	vadd.s32 v19, v20  }
0x85: {  	v20 =	vadd.s32 v24, v21;
	v21 =	vld [tilespmem:s22+$0x610];
	v18 =	vadd.s32 v18, v19  }
0x86: {  	v19 =	vadd.s32 v11, v20;
	v20 =	vld [tilespmem:s22+$0x710];
	v12 =	vadd.s32 v12, v18  }
0x87: {  	v62 =	vld [tilespmem:s21+$0xFFFFFC10];
	v17 =	vadd.s32 v17, v19;
	v12 =	vadd.s32 v13, v12  }
0x88: {  	v29 =	vld [tilespmem:s21+$0xFFFFF810];
	v17 =	vadd.s32 v23, v17;
	v16 =	vadd.s32 v16, v12  }
0x89: {  	v30 =	vld [tilespmem:s21+$0xFFFFF910];
	v17 =	vadd.s32 v22, v17;
	v16 =	vadd.s32 v14, v16  }
0x8a: {  	v9 =	vld [tilespmem:s21+$0x210];
	v17 =	vadd.s32 v21, v17;
	v15 =	vadd.s32 v15, v16  }
0x8b: {  	v10 =	vld [tilespmem:s21+$0x300];
	v18 =	vadd.s32 v20, v17;
	v15 =	vperm.xlane v15, v4  }
0x8c: {  	v26 =	vld [tilespmem:s21+$0xFFFFF800];
	v20 =	vperm.xlane v18, v4  }
0x8d: {  	v27 =	vld [tilespmem:s21+$0xFFFFFD00];
	(xrf0) =	vadd.scan.msk.s32 $0xffff, v15  }
0x8e: {  	v25 =	vld [tilespmem:s21+$0xFFFFF900];
	(xrf0) =	vadd.scan.msk.s32 $0xffff, v20  }
0x8f: {  	v30 =	vadd.s32 v29, v30;
	v29 =	vld [tilespmem:s21+$0xFFFFFE10]  }
0x90: {  	v24 =	vld [tilespmem:s21+$0xFFFFFA00]  }
0x91: {  	v11 =	vld [tilespmem:s21+$0x700]  }
0x92: {  	v13 =	vld [tilespmem:s21+$0x600]  }
0x93: {  	v19 =	vld [tilespmem:s21+$0x0];
	v15, _, _ =	vpop (xrf0)  }
0x94: {  	v12 =	vld [tilespmem:s21+$0x500];
	v23, _, _ =	vpop (xrf0)  }
0x95: {  	v14 =	vld [tilespmem:s21+$0x400];
	v23 =	vperm.xlane v23, v4  }
0x96: {  	v35 =	vmov s20;
	v22 =	vld [tilespmem:s21+$0xFFFFFB00];
	v15 =	vperm.xlane v15, v4  }
0x97: {  	v31 =	vxor.u32 $0x1, v8;
	v16 =	vld [tilespmem:s21+$0x310];
	v28 =	vadd.s32 v8, v23;
	v23 =	vbroadcast v23, $0x0  }
0x98: {  	v25 =	vadd.s32 v26, v25;
	v21 =	vld [tilespmem:s21+$0xFFFFFE00];
	vm0 =	vgt.s32 v28, $0x80;
	v28 =	vbroadcast v15, $0x0  }
0x99: {  	s31 =	simm.s32 $0xE0;
	v25 =	vadd.s32 v24, v25;
	v17 =	vld [tilespmem:s21+$0x200];
	v34 =	vadd.s32 v8, v23;
	v23 =	vmpcnt.ones.xlane vm0  }
0x9a: {  	v18 =	vld [tilespmem:s21+$0x100];
	v37 =	vadd.s32 v34, v15;
	v15 =	vadd.s32 v34, v28;
	v28 =	vmov s31  }
0x9b: {  	v26 =	vadd.s32 $0xFFFFFFFF, v35;
	v63 =	vadd.s32 v22, v25;
	v38 =	vadd.s32 $0xFFFFFFFF, v28;
	v28 =	vld [tilespmem:s21+$0xFFFFFD10]  }
0x9c: {  	v26 =	vbroadcast v26, $0x0;
	v20 =	vld [tilespmem:s21+$0xFFFFFF00];
	v35 =	vadd.s32 v32, v63;
	vm0 =	vgt.s32 v23, $0x0  }
0x9d: {  	v34 =	vadd.s32 v27, v35;
	v24 =	vnsel vm0, $0x0, v31;
	v31 =	vadd.s32 v33, v30;
	v30 =	vld [tilespmem:s21+$0xFFFFFF10]  }
0x9e: {  	v25 =	vbroadcast v38, $0x0;
	v22 =	vor.u32 v8, v24;
	v33 =	vadd.s32 v36, v31;
	v31 =	vld [tilespmem:s21+$0x10]  }
0x9f: {  	s23 =	simm.s32 $0x88A0;
	s22 =	simm.s32 $0x2;
	v32 =	vld [tilespmem:s21+$0x110];
	vm0 =	vgt.s32 v37, $0x80;
	v33 =	vadd.s32 v62, v33;
	v27 =	vxor.u32 $0x1, v22  }
.LBB2_7:
0xa0: {  	v35 =	vld [tilespmem:s23+$0x210];
	s22 =	sadd.s32 $0x2, s22;
	v28 =	vadd.s32 v28, v33;
	v21 =	vadd.s32 v21, v34;
	v33 =	vmpcnt.ones.xlane vm0;
	s20 =	sadd.s32 $0xFFFFFFE0, s20  }
0xa1: {  	v34 =	vld [tilespmem:s23+$0x300];
	p1 =	slt.u32 s22, $0xE;
	v28 =	vadd.s32 v29, v28;
	v20 =	vadd.s32 v20, v21;
	v21 =	vadd.s32 v23, v26  }
0xa2: {  	v23 =	vadd.s32 v30, v28;
	v26 =	vld [tilespmem:s21+$0x410];
	v19 =	vadd.s32 v19, v20;
	vm0 =	vgt.s32 v33, $0x0  }
0xa3: {  	vm1 =	veq.s32 v24, $0x0;
	v20 =	vadd.s32 v31, v23;
	v23 =	vld [tilespmem:s21+$0x510];
	v18 =	vadd.s32 v18, v19  }
0xa4: {  	v19 =	vadd.s32 v32, v20;
	v20 =	vld [tilespmem:s21+$0x610];
	v17 =	vadd.s32 v17, v18;
	v18 =	vadd.s32 v33, v25  }
0xa5: {  	v19 =	vadd.s32 v9, v19;
	v24 =	vld [tilespmem:s21+$0x710];
	v28 =	vadd.s32 v10, v17;
	v17 =	vnsel vm0, $0x0, v27;
	v9 =	vmovc v35;
	s21 =	smov.u32 s23  }
0xa6: {  	v8 =	vsel vm1, v8, v21;
	v25 =	vld [tilespmem:s23+$0x700];
	v16 =	vadd.s32 v16, v19;
	v14 =	vadd.s32 v14, v28;
	v10 =	vmovc v34  }
0xa7: {  	vm0 =	veq.s32 v17, $0x0;
	v19 =	vld [tilespmem:s23+$0x600];
	v16 =	vadd.s32 v26, v16;
	v14 =	vadd.s32 v12, v14  }
0xa8: {  	v8 =	vsel vm0, v8, v18;
	v12 =	vld [tilespmem:s23+$0x500];
	v16 =	vadd.s32 v23, v16;
	v13 =	vadd.s32 v13, v14  }
0xa9: {  	v22 =	vor.u32 v22, v17;
	v14 =	vld [tilespmem:s23+$0x400];
	v18 =	vadd.s32 v20, v16;
	v23 =	vadd.s32 v11, v13  }
0xaa: {  	v16 =	vld [tilespmem:s23+$0x310];
	v24 =	vadd.s32 v24, v18;
	v20 =	vperm.xlane v23, v4  }
0xab: {  	v17 =	vld [tilespmem:s23+$0x200];
	v21 =	vperm.xlane v24, v4;
	v11 =	vmov v25  }
0xac: {  	v18 =	vld [tilespmem:s23+$0x100];
	(xrf0) =	vadd.scan.msk.s32 $0xffff, v20;
	v13 =	vmov v19  }
0xad: {  	v19 =	vld [tilespmem:s23+$0x0];
	(xrf0) =	vadd.scan.msk.s32 $0xffff, v21  }
0xae: {  	v20 =	vld [tilespmem:s23+$0xFFFFFF00]  }
0xaf: {  	v21 =	vld [tilespmem:s23+$0xFFFFFE00]  }
0xb0: {  	v27 =	vld [tilespmem:s23+$0xFFFFFD00]  }
0xb1: {  	v32 =	vld [tilespmem:s23+$0xFFFFFC00]  }
0xb2: {  	v25 =	vld [tilespmem:s23+$0xFFFFFB00];
	v23, _, _ =	vpop (xrf0)  }
0xb3: {  	v24 =	vld [tilespmem:s23+$0xFFFFFA00];
	v26, _, _ =	vpop (xrf0)  }
0xb4: {  	v28 =	vld [tilespmem:s23+$0xFFFFF900];
	v26 =	vperm.xlane v26, v4  }
0xb5: {  	v30 =	vperm.xlane v23, v4;
	v29 =	vld [tilespmem:s23+$0xFFFFF800]  }
0xb6: {  	v31 =	vld [tilespmem:s23+$0xFFFFF810];
	v23 =	vadd.s32 v15, v26;
	v26 =	vbroadcast v26, $0x0  }
0xb7: {  	v34 =	vxor.u32 $0x1, v22;
	v35 =	vbroadcast v30, $0x0;
	v33 =	vld [tilespmem:s23+$0xFFFFF910];
	vm0 =	vgt.s32 v23, $0x80  }
0xb8: {  	s24 =	sadd.s32 $0xFFFFFFF0, s20;
	v36 =	vld [tilespmem:s23+$0xFFFFFA10];
	v15 =	vadd.s32 v15, v26;
	v23 =	vmpcnt.ones.xlane vm0;
	v26 =	vmov s20  }
0xb9: {  	v37 =	vld [tilespmem:s23+$0xFFFFFB10];
	v38 =	vadd.s32 v15, v30;
	v15 =	vadd.s32 v15, v35;
	v30 =	vmov s24  }
0xba: {  	v35 =	vld [tilespmem:s23+$0xFFFFFC10];
	v29 =	vadd.s32 v29, v28;
	vm0 =	vgt.s32 v23, $0x0;
	v39 =	vadd.s32 $0xFFFFFFFF, v30  }
.Ltmp2:
0xbb: {  	v26 =	vadd.s32 $0xFFFFFFFF, v26;
	v28 =	vld [tilespmem:s23+$0xFFFFFD10];
	v30 =	vadd.s32 v24, v29;
	v24 =	vnsel vm0, $0x0, v34;
	(pc) =	sbr.rel @p1 .LBB2_7-.Ltmp2, $4  }
0xbc: {  	v26 =	vbroadcast v26, $0x0;
	v31 =	vadd.s32 v31, v33;
	v29 =	vld [tilespmem:s23+$0xFFFFFE10];
	v33 =	vadd.s32 v25, v30  }
0xbd: {  	v22 =	vor.u32 v22, v24;
	v25 =	vbroadcast v39, $0x0;
	v31 =	vadd.s32 v36, v31;
	v30 =	vld [tilespmem:s23+$0xFFFFFF10]  }
0xbe: {  	vm0 =	vgt.s32 v38, $0x80;
	v36 =	vadd.s32 v32, v33;
	v34 =	vadd.s32 v37, v31;
	v31 =	vld [tilespmem:s23+$0x10]  }
0xbf: {  	s23 =	sadd.s32 $0xFFFFFFE0, s23;
	v33 =	vadd.s32 v35, v34;
	v32 =	vld [tilespmem:s21+$0x110];
	v34 =	vadd.s32 v27, v36;
	v27 =	vxor.u32 $0x1, v22  }
0xc0: {  	v28 =	vadd.s32 v28, v33;
	v21 =	vadd.s32 v21, v34  }
0xc1: {  	v28 =	vadd.s32 v29, v28;
	v20 =	vadd.s32 v20, v21  }
0xc2: {  	v53 =	vld [tilespmem:s21+$0x410];
	v52 =	vadd.s32 v30, v28;
	v19 =	vadd.s32 v19, v20  }
0xc3: {  	v55 =	vld [tilespmem:s21+$0x510];
	v54 =	vadd.s32 v31, v52;
	v18 =	vadd.s32 v18, v19  }
0xc4: {  	v57 =	vld [tilespmem:s21+$0x610];
	v56 =	vadd.s32 v32, v54;
	v17 =	vadd.s32 v17, v18  }
0xc5: {  	v58 =	vld [tilespmem:s21+$0x710];
	v9 =	vadd.s32 v9, v56;
	v10 =	vadd.s32 v10, v17  }
0xc6: {  	v9 =	vadd.s32 v16, v9;
	v10 =	vadd.s32 v14, v10  }
0xc7: {  	v9 =	vadd.s32 v53, v9;
	v10 =	vadd.s32 v12, v10  }
0xc8: {  	v9 =	vadd.s32 v55, v9;
	v10 =	vadd.s32 v13, v10  }
0xc9: {  	v9 =	vadd.s32 v57, v9;
	v10 =	vadd.s32 v11, v10  }
0xca: {  	v9 =	vadd.s32 v58, v9;
	v10 =	vperm.xlane v10, v4  }
0xcb: {  	v9 =	vperm.xlane v9, v4  }
0xcc: {  	(xrf0) =	vadd.scan.msk.s32 $0xffff, v10  }
0xcd: {  	(xrf0) =	vadd.scan.msk.s32 $0xffff, v9;
	_ =	sdelay $0x4  }
0xce: {  	v9 =	vmpcnt.ones.xlane vm0;
	v10, _, _ =	vpop (xrf0)  }
0xcf: {  	vm1 =	veq.s32 v24, $0x0;
	v59, _, _ =	vpop (xrf0)  }
0xd0: {  	v11 =	vadd.s32 v23, v26;
	vm0 =	vgt.s32 v9, $0x0;
	v12 =	vperm.xlane v59, v4  }
0xd1: {  	v8 =	vsel vm1, v8, v11;
	v9 =	vadd.s32 v9, v25;
	v60 =	vnsel vm0, $0x0, v27  }
0xd2: {  	vm0 =	veq.s32 v60, $0x0;
	v11 =	vadd.s32 v15, v12;
	v12 =	vbroadcast v12, $0x0  }
0xd3: {  	v8 =	vsel vm0, v8, v9;
	v9 =	vperm.xlane v10, v4;
	vm12 =	vgt.s32 v11, $0x80  }
0xd4: {  	s20 =	sadd.s32 $0xFFFFFFE0, s20;
	v10 =	vor.u32 v22, v60;
	v11 =	vadd.s32 v15, v12;
	v61 =	vmpcnt.ones.xlane vm12  }
0xd5: {  	v62 =	vmov s20;
	s20 =	sadd.s32 $0xFFFFFFF0, s20;
	v13 =	vxor.u32 $0x1, v10;
	v9 =	vadd.s32 v11, v9  }
0xd6: {  	v11 =	vmov s20;
	vm0 =	vgt.s32 v61, $0x0;
	vm13 =	vgt.s32 v9, $0x80  }
0xd7: {  	v9 =	vadd.s32 $0xFFFFFFFF, v62;
	v13 =	vnsel vm0, $0x0, v13;
	v63 =	vmpcnt.ones.xlane vm13  }
0xd8: {  	v11 =	vadd.s32 $0xFFFFFFFF, v11;
	v9 =	vbroadcast v9, $0x0;
	v10 =	vor.u32 v10, v13  }
0xd9: {  	v11 =	vbroadcast v11, $0x0;
	v10 =	vxor.u32 $0x1, v10;
	vm14 =	vgt.s32 v63, $0x0  }
0xda: {  	vm15 =	veq.s32 v13, $0x0;
	v9 =	vadd.s32 v61, v9;
	v10 =	vnsel vm14, $0x0, v10  }
0xdb: {  	v11 =	vadd.s32 v63, v11;
	v8 =	vsel vm15, v8, v9;
	vm0 =	veq.s32 v10, $0x0  }
0xdc: {  	p1 =	por $0x1, $0x1;
	s20 =	simm.s32 $0x0;
	v8 =	vsel vm0, v8, v11  }
.LBB2_9:
0xdd: {  	[tilespmem:s20+$0x9000] =	vst v5  }
0xde: {  	[tilespmem:s20+$0x9010] =	vst v5  }
0xdf: {  	[tilespmem:s20+$0x9020] =	vst v5;
	p2 =	por p1, p1  }
.Ltmp3:
0xe0: {  	[tilespmem:s20+$0x9030] =	vst v5;
	(pc) =	sbr.rel @p2 .LBB2_9-.Ltmp3, $4  }
0xe1: {  	[tilespmem:s20+$0x9040] =	vst v5  }
0xe2: {  	[tilespmem:s20+$0x9050] =	vst v5  }
0xe3: {  	[tilespmem:s20+$0x9060] =	vst v5  }
0xe4: {  	[tilespmem:s20+$0x9070] =	vst v5;
	s20 =	simm.s32 $0x80;
	p1 =	por $0x0, $0x0  }
0xe5: {  	[tilespmem:$0x9100] =	vst v5;
	s21 =	sadd.s32 $0x80, s19  }
0xe6: {  	v9 =	vld [tilespmem:s21+$0xFFFFFF90]  }
0xe7: {  	v17 =	vld [tilespmem:s21+$0x70]  }
0xe8: {  	v14 =	vld [tilespmem:s21+$0x40]  }
0xe9: {  	v13 =	vld [tilespmem:s21+$0x0]  }
0xea: {  	v30 =	vld [tilespmem:s21+$0xFFFFFFC0];
	_ =	sdelay $0x1  }
0xeb: {  	v10 =	vld [tilespmem:s21+$0x50]  }
0xec: {  	v8 =	vshll.u32 v8, $0x18;
	v20 =	vimm.s32 $0x0;
	v12 =	vld [tilespmem:s21+$0xFFFFFFF0]  }
0xed: {  	v8 =	vxor.u32 $0x80000000, v8;
	v11 =	vshra.s32 v9, $0x1F;
	v16 =	vshra.s32 v17, $0x1F  }
0xee: {  	v27 =	vld [tilespmem:s21+$0xFFFFFFA0];
	v26 =	vshra.s32 v14, $0x1F;
	v23 =	vshra.s32 v13, $0x1F;
	v34 =	vshra.s32 v30, $0x1F  }
0xef: {  	v15 =	vld [tilespmem:s21+$0xFFFFFFB0];
	v11 =	vand.u32 $0x7FFFFFFF, v11;
	v21 =	vand.u32 $0x7FFFFFFF, v16;
	v29 =	vand.u32 $0x7FFFFFFF, v23  }
0xf0: {  	v25 =	vld [tilespmem:s21+$0xFFFFFF80];
	v26 =	vand.u32 $0x7FFFFFFF, v26;
	v18 =	vxor.u32 v9, v11;
	v9 =	vshra.s32 v10, $0x1F  }
0xf1: {  	v16 =	vld [tilespmem:s21+$0xFFFFFFE0];
	v11 =	vshra.s32 v12, $0x1F;
	v14 =	vxor.u32 v14, v26;
	v17 =	vxor.u32 v17, v21  }
0xf2: {  	v28 =	vld [tilespmem:s21+$0xFFFFFFD0];
	vm9 =	vge.s32 v18, v8;
	v9 =	vand.u32 $0x7FFFFFFF, v9;
	v31 =	vand.u32 $0x7FFFFFFF, v11  }
0xf3: {  	v19 =	vld [tilespmem:s21+$0x30];
	v11 =	vxor.u32 v13, v29;
	v29 =	vshra.s32 v27, $0x1F;
	vm2 =	vge.s32 v14, v8  }
0xf4: {  	v22 =	vsel vm9, $0x1, v1;
	v9 =	vxor.u32 v10, v9;
	v10 =	vshra.s32 v15, $0x1F  }
0xf5: {  	v24 =	vmpcnt.ones.xlane vm9;
	v29 =	vand.u32 $0x7FFFFFFF, v29;
	v10 =	vand.u32 $0x7FFFFFFF, v10  }
0xf6: {  	v23 =	vxor.u32 v15, v10;
	v10 =	vshra.s32 v25, $0x1F;
	v13 =	vshra.s32 v16, $0x1F  }
0xf7: {  	v15 =	vshra.s32 v28, $0x1F;
	v10 =	vand.u32 $0x7FFFFFFF, v10;
	v13 =	vand.u32 $0x7FFFFFFF, v13  }
0xf8: {  	v33 =	vxor.u32 v25, v10;
	v25 =	vshra.s32 v19, $0x1F;
	v10 =	vxor.u32 v16, v13  }
0xf9: {  	(xrf0) =	vadd.scan.msk.s32 $0xffff, v22;
	v13 =	vxor.u32 v12, v31;
	v25 =	vand.u32 $0x7FFFFFFF, v25;
	vm12 =	vge.s32 v33, v8  }
0xfa: {  	v22 =	vld [tilespmem:s21+$0x10];
	v12 =	vand.u32 $0x7FFFFFFF, v15;
	v15 =	vxor.u32 v19, v25;
	v19 =	vsel vm12, $0x1, v1  }
0xfb: {  	vm7 =	vge.s32 v11, v8;
	vm1 =	vge.s32 v9, v8;
	v29 =	vxor.u32 v27, v29;
	(xrf0) =	vadd.scan.msk.s32 $0xffff, v19  }
0xfc: {  	v32 =	vsel vm1, $0x1, v1;
	vm13 =	vge.s32 v29, v8;
	vm10 =	vge.s32 v23, v8  }
0xfd: {  	v55 =	vsel vm13, $0x1, v1;
	v16 =	vand.u32 $0x7FFFFFFF, v34;
	vm3 =	vge.s32 v13, v8  }
0xfe: {  	v38 =	vmpcnt.ones.xlane vm10;
	v12 =	vxor.u32 v28, v12;
	v28 =	vld [tilespmem:s21+$0x20];
	v19 =	vsel vm3, $0x1, v1  }
0xff: {  	v16 =	vxor.u32 v30, v16;
	v30 =	vmpcnt.ones.xlane vm12;
	v27 =	vshra.s32 v22, $0x1F;
	v31, _, _ =	vpop (xrf0);
	(xrf0) =	vadd.scan.msk.s32 $0xffff, v19  }
0x100: {  	vm0 =	vge.s32 v10, v8;
	v25 =	vsel vm10, $0x1, v1;
	v19 =	vand.u32 $0x7FFFFFFF, v27;
	(xrf0) =	vadd.scan.msk.s32 $0xffff, v32  }
0x101: {  	vm4 =	vge.s32 v12, v8;
	v30 =	vadd.s32 v20, v30;
	v19 =	vxor.u32 v22, v19;
	v22, _, _ =	vpop (xrf0);
	(xrf0) =	vadd.scan.msk.s32 $0xffff, v55  }
0x102: {  	vm6 =	vge.s32 v19, v8;
	v20 =	vadd.s32 v22, v20;
	v22 =	vsel vm2, $0x1, v1;
	(xrf0) =	vadd.scan.msk.s32 $0xffff, v25  }
0x103: {  	v26 =	vshra.s32 v28, $0x1F;
	v57 =	vadd.s32 $0xFFFFFFFF, v20;
	v20 =	vsel vm6, $0x1, v1;
	(xrf0) =	vadd.scan.msk.s32 $0xffff, v22  }
0x104: {  	vm5 =	vge.s32 v16, v8;
	v35 =	vsel vm4, $0x1, v1;
	(xrf0) =	vadd.scan.msk.s32 $0xffff, v20;
	v20 =	vand.u32 $0x7FFFFFFF, v26  }
0x105: {  	v37, _, _ =	vpop (xrf0);
	v26 =	vsel vm0, $0x1, v1;
	(xrf0) =	vadd.scan.msk.s32 $0xffff, v35;
	v20 =	vxor.u32 v28, v20;
	v28 =	vsel vm7, $0x1, v1  }
0x106: {  	vm11 =	vge.s32 v15, v8;
	v27 =	vmpcnt.ones.xlane vm5;
	v21, _, _ =	vpop (xrf0);
	(xrf0) =	vadd.scan.msk.s32 $0xffff, v26;
	v26 =	vmpcnt.ones.xlane vm13  }
0x107: {  	v24 =	vadd.s32 v30, v24;
	v30 =	vadd.s32 v31, v30;
	v31 =	vsel vm5, $0x1, v1;
	v58, _, _ =	vpop (xrf0)  }
0x108: {  	vm8 =	vge.s32 v20, v8;
	(xrf0) =	vadd.scan.msk.s32 $0xffff, v28;
	v35 =	vadd.s32 v58, v24;
	v28, _, _ =	vpop (xrf0);
	v24 =	vadd.s32 v24, v26  }
0x109: {  	(xrf0) =	vadd.scan.msk.s32 $0xffff, v31;
	v28 =	vadd.s32 v28, v24;
	v31 =	vadd.s32 v24, v38;
	v24 =	vsel vm11, $0x1, v1  }
0x10a: {  	v25 =	vmpcnt.ones.xlane vm4;
	v39 =	vsel vm8, $0x1, v1;
	v26, _, _ =	vpop (xrf0)  }
0x10b: {  	v36 =	vmpcnt.ones.xlane vm3;
	v22 =	vmpcnt.ones.xlane vm0;
	(xrf0) =	vadd.scan.msk.s32 $0xffff, v39;
	v27 =	vadd.s32 v31, v27;
	v59, _, _ =	vpop (xrf0)  }
0x10c: {  	v30 =	vadd.s32 $0xFFFFFFFF, v30;
	v60 =	vadd.s32 $0xFFFFFFFF, v28;
	(xrf0) =	vadd.scan.msk.s32 $0xffff, v24;
	v28 =	vadd.s32 v27, v25;
	v24, _, _ =	vpop (xrf0)  }
0x10d: {  	v22 =	vadd.s32 v28, v22;
	v25 =	vadd.s32 v24, v27;
	v24, _, _ =	vpop (xrf0)  }
0x10e: {  	v27 =	vadd.s32 v24, v28;
	v28 =	vadd.s32 v22, v36  }
0x10f: {  	v42 =	vmpcnt.ones.xlane vm7;
	v43 =	vmpcnt.ones.xlane vm11;
	v35 =	vadd.s32 $0xFFFFFFFF, v35  }
0x110: {  	v41 =	vmpcnt.ones.xlane vm6;
	v40 =	vmpcnt.ones.xlane vm8;
	v24 =	vadd.s32 v37, v22;
	v61, _, _ =	vpop (xrf0)  }
0x111: {  	[tilespmem:v30+s13+$0x0] =	vst.idx.msk vm9, v18;
	v22 =	vadd.s32 $0xFFFFFFFF, v27;
	v27 =	vadd.s32 v61, v28;
	v18 =	vadd.s32 v28, v42;
	v28, _, _ =	vpop (xrf0)  }
0x112: {  	v30 =	vadd.s32 v59, v18;
	v18 =	vadd.s32 v18, v41;
	v28 =	vadd.s32 v28, v31;
	v31, _, _ =	vpop (xrf0)  }
0x113: {  	v31 =	vadd.s32 v31, v18;
	v18 =	vadd.s32 v18, v40;
	v62, _, _ =	vpop (xrf0)  }
0x114: {  	[tilespmem:v35+s13+$0x0] =	vst.idx.msk vm13, v29;
	v29 =	vadd.s32 $0xFFFFFFFF, v30;
	v30 =	vadd.s32 v62, v18;
	v63 =	vadd.s32 v18, v43;
	v18 =	vld [tilespmem:s21+$0x60]  }
0x115: {  	v56 =	vmpcnt.ones.xlane vm2;
	v28 =	vadd.s32 $0xFFFFFFFF, v28  }
0x116: {  	[tilespmem:v57+s13+$0x0] =	vst.idx.msk vm12, v33  }
0x117: {  	s20 =	simm.s32 $0x0;
	[tilespmem:v60+s13+$0x0] =	vst.idx.msk vm10, v23;
	s21 =	sadd.s32 $0x100, s21;
	v30 =	vadd.s32 $0xFFFFFFFF, v30;
	v23 =	vadd.s32 v26, v63;
	v26 =	vadd.s32 v63, v56  }
.LBB2_11:
0x118: {  	v32 =	vld [tilespmem:s21+$0xFFFFFF90];
	s20 =	sadd.s32 $0x100, s20;
	v33 =	vadd.s32 $0xFFFFFFFF, v24;
	v27 =	vadd.s32 $0xFFFFFFFF, v27;
	v31 =	vadd.s32 $0xFFFFFFFF, v31  }
0x119: {  	v34 =	vadd.s32 $0xFFFFFFFF, v25;
	v25 =	vshra.s32 v18, $0x1F;
	vm12 =	vmmov vm1;
	v24 =	vld [tilespmem:s21+$0x70];
	p1 =	slt.u32 s20, $0x1F00  }
0x11a: {  	v35 =	vld [tilespmem:s21+$0x60];
	[tilespmem:v28+s13+$0x0] =	vst.idx.msk vm5, v16;
	v16 =	vand.u32 $0x7FFFFFFF, v25;
	vm5 =	vge.s32 v17, v8  }
0x11b: {  	v25 =	vld [tilespmem:s21+$0x20];
	[tilespmem:v29+s13+$0x0] =	vst.idx.msk vm6, v19;
	v28 =	vxor.u32 v18, v16;
	v16 =	vsel vm5, $0x1, v1  }
0x11c: {  	v29 =	vmpcnt.ones.xlane vm5;
	v19 =	vld [tilespmem:s21+$0x40];
	[tilespmem:v30+s13+$0x0] =	vst.idx.msk vm11, v15;
	v15 =	vmpcnt.ones.xlane vm12;
	(xrf0) =	vadd.scan.msk.s32 $0xffff, v16  }
0x11d: {  	v16 =	vshra.s32 v32, $0x1F;
	v30 =	vld [tilespmem:s21+$0x50];
	[tilespmem:v33+s13+$0x0] =	vst.idx.msk vm3, v13;
	v13 =	vadd.s32 $0xFFFFFFFF, v23;
	vm3 =	vge.s32 v28, v8  }
0x11e: {  	v16 =	vand.u32 $0x7FFFFFFF, v16;
	v33 =	vld [tilespmem:s21+$0xFFFFFFF0];
	v36 =	vshra.s32 v24, $0x1F;
	[tilespmem:v27+s13+$0x0] =	vst.idx.msk vm7, v11;
	v11 =	vmpcnt.ones.xlane vm3  }
0x11f: {  	v23 =	vxor.u32 v32, v16;
	v16 =	vld [tilespmem:s21+$0x0];
	v27 =	vand.u32 $0x7FFFFFFF, v36;
	[tilespmem:v31+s13+$0x0] =	vst.idx.msk vm8, v20;
	v20 =	vsel vm3, $0x1, v1;
	v18 =	vmovc v35  }
0x120: {  	vm9 =	vge.s32 v23, v8;
	v31 =	vld [tilespmem:s21+$0xFFFFFFB0];
	[tilespmem:v34+s13+$0x0] =	vst.idx.msk vm4, v12;
	v12 =	vadd.s32 v21, v26;
	(xrf0) =	vadd.scan.msk.s32 $0xffff, v20  }
0x121: {  	v15 =	vadd.s32 v26, v15;
	v20 =	vsel vm9, $0x1, v1;
	v21 =	vmpcnt.ones.xlane vm9;
	v32 =	vld [tilespmem:s21+$0x30]  }
0x122: {  	v11 =	vadd.s32 v15, v11;
	v35 =	vshra.s32 v19, $0x1F;
	v34 =	vld [tilespmem:s21+$0xFFFFFFE0];
	v26 =	vshra.s32 v30, $0x1F;
	v36, _, _ =	vpop (xrf0)  }
0x123: {  	v37 =	vld [tilespmem:s21+$0xFFFFFFA0];
	v38 =	vshra.s32 v33, $0x1F;
	v26 =	vand.u32 $0x7FFFFFFF, v26;
	v36 =	vadd.s32 v36, v11  }
0x124: {  	v39 =	vld [tilespmem:s21+$0xFFFFFF80];
	v40 =	vshra.s32 v16, $0x1F;
	v30 =	vxor.u32 v30, v26;
	v36 =	vadd.s32 $0xFFFFFFFF, v36  }
0x125: {  	v26 =	vshra.s32 v31, $0x1F;
	v40 =	vand.u32 $0x7FFFFFFF, v40;
	vm1 =	vge.s32 v30, v8;
	[tilespmem:v13+s13+$0x0] =	vst.idx.msk vm2, v14  }
0x126: {  	v29 =	vadd.s32 v11, v29;
	v38 =	vand.u32 $0x7FFFFFFF, v38;
	v13 =	vand.u32 $0x7FFFFFFF, v26;
	v14 =	vld [tilespmem:s21+$0xFFFFFFD0];
	v11, _, _ =	vpop (xrf0)  }
0x127: {  	v41 =	vsel vm1, $0x1, v1;
	v26 =	vxor.u32 v31, v13;
	v31 =	vld [tilespmem:s21+$0xFFFFFFC0];
	v13 =	vadd.s32 v11, v15  }
0x128: {  	v12 =	vadd.s32 $0xFFFFFFFF, v12;
	v11 =	vxor.u32 v16, v40;
	vm10 =	vge.s32 v26, v8;
	[tilespmem:v22+s13+$0x0] =	vst.idx.msk vm0, v10  }
0x129: {  	v15 =	vshra.s32 v34, $0x1F;
	v22 =	vadd.s32 $0xFFFFFFFF, v13;
	v10 =	vshra.s32 v39, $0x1F;
	[tilespmem:v36+s13+$0x0] =	vst.idx.msk vm5, v17  }
0x12a: {  	v13 =	vand.u32 $0x7FFFFFFF, v15;
	v17 =	vshra.s32 v37, $0x1F;
	v10 =	vand.u32 $0x7FFFFFFF, v10  }
0x12b: {  	v16 =	vshra.s32 v32, $0x1F;
	v36 =	vxor.u32 v39, v10;
	v15 =	vshra.s32 v14, $0x1F  }
0x12c: {  	v10 =	vxor.u32 v34, v13;
	v39 =	vshra.s32 v31, $0x1F;
	(xrf0) =	vadd.scan.msk.s32 $0xffff, v20  }
0x12d: {  	v13 =	vxor.u32 v33, v38;
	v34 =	vand.u32 $0x7FFFFFFF, v16;
	v20 =	vand.u32 $0x7FFFFFFF, v39;
	v33 =	vld [tilespmem:s21+$0x10];
	[tilespmem:v12+s13+$0x0] =	vst.idx.msk vm12, v9;
	v9 =	vmovc v30  }
0x12e: {  	vm12 =	vge.s32 v36, v8;
	v12 =	vand.u32 $0x7FFFFFFF, v15;
	v16 =	vxor.u32 v31, v20;
	[tilespmem:v22+s13+$0x0] =	vst.idx.msk vm3, v28  }
0x12f: {  	v15 =	vxor.u32 v32, v34;
	v20 =	vmpcnt.ones.xlane vm12;
	v12 =	vxor.u32 v14, v12  }
0x130: {  	v14 =	vsel vm12, $0x1, v1;
	v22 =	vsel vm10, $0x1, v1;
	v28 =	vand.u32 $0x7FFFFFFF, v35  }
0x131: {  	v17 =	vand.u32 $0x7FFFFFFF, v17;
	vm3 =	vge.s32 v13, v8;
	v20 =	vadd.s32 v29, v20;
	(xrf0) =	vadd.scan.msk.s32 $0xffff, v14  }
0x132: {  	v30 =	vxor.u32 v37, v17;
	v14 =	vsel vm3, $0x1, v1;
	v17 =	vshra.s32 v33, $0x1F;
	v31, _, _ =	vpop (xrf0)  }
0x133: {  	vm13 =	vge.s32 v30, v8;
	vm5 =	vge.s32 v16, v8;
	v32 =	vadd.s32 v20, v21  }
0x134: {  	vm0 =	vge.s32 v10, v8;
	v20 =	vadd.s32 v31, v20;
	v31 =	vsel vm5, $0x1, v1;
	(xrf0) =	vadd.scan.msk.s32 $0xffff, v14  }
0x135: {  	vm4 =	vge.s32 v12, v8;
	v21 =	vsel vm13, $0x1, v1;
	v14 =	vxor.u32 v19, v28  }
0x136: {  	v35 =	vand.u32 $0x7FFFFFFF, v17;
	v28 =	vshra.s32 v25, $0x1F;
	vm2 =	vge.s32 v14, v8;
	(xrf0) =	vadd.scan.msk.s32 $0xffff, v41  }
0x137: {  	v34 =	vmpcnt.ones.xlane vm5;
	v19 =	vxor.u32 v33, v35;
	v33 =	vmpcnt.ones.xlane vm2;
	v17, _, _ =	vpop (xrf0);
	(xrf0) =	vadd.scan.msk.s32 $0xffff, v21  }
0x138: {  	v21 =	vsel vm2, $0x1, v1;
	v17 =	vadd.s32 v17, v29;
	v29 =	vmpcnt.ones.xlane vm4  }
0x139: {  	v37 =	vmpcnt.ones.xlane vm0;
	vm6 =	vge.s32 v19, v8;
	v35 =	vadd.s32 $0xFFFFFFFF, v17;
	(xrf0) =	vadd.scan.msk.s32 $0xffff, v22  }
0x13a: {  	v38 =	vmpcnt.ones.xlane vm3;
	v22 =	vadd.s32 $0xFFFFFFFF, v20;
	v20 =	vsel vm6, $0x1, v1;
	v39, _, _ =	vpop (xrf0);
	(xrf0) =	vadd.scan.msk.s32 $0xffff, v21  }
0x13b: {  	v40 =	vsel vm4, $0x1, v1;
	v41 =	vand.u32 $0x7FFFFFFF, v28;
	v17 =	vxor.u32 v24, v27;
	(xrf0) =	vadd.scan.msk.s32 $0xffff, v20  }
0x13c: {  	vm7 =	vge.s32 v11, v8;
	v24 =	vsel vm0, $0x1, v1;
	v20 =	vxor.u32 v25, v41;
	(xrf0) =	vadd.scan.msk.s32 $0xffff, v40;
	v21, _, _ =	vpop (xrf0)  }
0x13d: {  	v27 =	vsel vm7, $0x1, v1;
	v41 =	vmpcnt.ones.xlane vm13;
	vm8 =	vge.s32 v20, v8;
	v28, _, _ =	vpop (xrf0);
	(xrf0) =	vadd.scan.msk.s32 $0xffff, v24  }
0x13e: {  	v40 =	vsel vm8, $0x1, v1;
	v24 =	vadd.s32 v28, v32;
	v28 =	vmpcnt.ones.xlane vm10;
	(xrf0) =	vadd.scan.msk.s32 $0xffff, v27  }
0x13f: {  	vm11 =	vge.s32 v15, v8;
	v27 =	vadd.s32 $0xFFFFFFFF, v24;
	v24 =	vadd.s32 v32, v41;
	v25, _, _ =	vpop (xrf0);
	(xrf0) =	vadd.scan.msk.s32 $0xffff, v31  }
0x140: {  	v42 =	vsel vm11, $0x1, v1;
	v25 =	vadd.s32 v25, v24;
	v28 =	vadd.s32 v24, v28;
	(xrf0) =	vadd.scan.msk.s32 $0xffff, v40;
	v32, _, _ =	vpop (xrf0)  }
0x141: {  	v31 =	vadd.s32 $0xFFFFFFFF, v25;
	v25 =	vadd.s32 v28, v34;
	v34 =	vmpcnt.ones.xlane vm8;
	v40, _, _ =	vpop (xrf0);
	(xrf0) =	vadd.scan.msk.s32 $0xffff, v42  }
0x142: {  	v41 =	vmpcnt.ones.xlane vm11;
	[tilespmem:v22+s13+$0x0] =	vst.idx.msk vm9, v23;
	v22 =	vadd.s32 v25, v29;
	v23 =	vmpcnt.ones.xlane vm6;
	v24, _, _ =	vpop (xrf0)  }
0x143: {  	[tilespmem:v35+s13+$0x0] =	vst.idx.msk vm12, v36;
	v25 =	vadd.s32 v24, v25;
	v29 =	vadd.s32 v22, v37;
	v35 =	vmpcnt.ones.xlane vm7;
	v24, _, _ =	vpop (xrf0)  }
0x144: {  	v22 =	vadd.s32 v24, v22;
	v24 =	vadd.s32 v39, v29;
	v37 =	vadd.s32 v29, v38;
	v36, _, _ =	vpop (xrf0)  }
.Ltmp4:
0x145: {  	[tilespmem:v27+s13+$0x0] =	vst.idx.msk vm13, v30;
	v22 =	vadd.s32 $0xFFFFFFFF, v22;
	v27 =	vadd.s32 v36, v37;
	v35 =	vadd.s32 v37, v35;
	v30, _, _ =	vpop (xrf0);
	(pc) =	sbr.rel @p1 .LBB2_11-.Ltmp4, $4  }
0x146: {  	v28 =	vadd.s32 v30, v28;
	v30 =	vadd.s32 v40, v35;
	v23 =	vadd.s32 v35, v23;
	v29, _, _ =	vpop (xrf0)  }
0x147: {  	[tilespmem:v31+s13+$0x0] =	vst.idx.msk vm10, v26;
	v28 =	vadd.s32 $0xFFFFFFFF, v28;
	v31 =	vadd.s32 v29, v23;
	v23 =	vadd.s32 v23, v34;
	v26, _, _ =	vpop (xrf0)  }
0x148: {  	v29 =	vadd.s32 $0xFFFFFFFF, v30;
	v26 =	vadd.s32 v26, v23;
	v34 =	vadd.s32 v23, v41  }
0x149: {  	s21 =	sadd.s32 $0x100, s21;
	v30 =	vadd.s32 $0xFFFFFFFF, v26;
	v23 =	vadd.s32 v32, v34;
	v26 =	vadd.s32 v34, v33  }
0x14a: {  	v32 =	vshra.s32 v18, $0x1F  }
0x14b: {  	v32 =	vand.u32 $0x7FFFFFFF, v32  }
0x14c: {  	vm1 =	vmmov vm1;
	v52 =	vxor.u32 v18, v32  }
0x14d: {  	v53 =	vmpcnt.ones.xlane vm1;
	vm9 =	vge.s32 v52, v8  }
0x14e: {  	vm10 =	vge.s32 v17, v8;
	v33 =	vmpcnt.ones.xlane vm9  }
0x14f: {  	v34 =	vmpcnt.ones.xlane vm10;
	v32 =	vadd.s32 v26, v53  }
0x150: {  	v33 =	vadd.s32 v32, v33  }
0x151: {  	v34 =	vadd.s32 v33, v34  }
0x152: {  	(v2sf) =	vpush v34, $0x0;
	_ =	sdelay $0x6  }
0x153: {  	v35 =	vsel vm10, $0x1, v1  }
0x154: {  	(xrf0) =	vadd.scan.msk.s32 $0xffff, v35;
	v54 =	vsel vm9, $0x1, v1  }
0x155: {  	v27 =	vadd.s32 $0xFFFFFFFF, v27;
	(xrf0) =	vadd.scan.msk.s32 $0xffff, v54;
	_ =	sdelay $0x1  }
0x156: {  	v24 =	vadd.s32 $0xFFFFFFFF, v24;
	[tilespmem:v28+s13+$0x0] =	vst.idx.msk vm5, v16  }
0x157: {  	v55 =	vadd.s32 $0xFFFFFFFF, v31;
	[tilespmem:v29+s13+$0x0] =	vst.idx.msk vm6, v19  }
0x158: {  	v56 =	vadd.s32 $0xFFFFFFFF, v25;
	[tilespmem:v30+s13+$0x0] =	vst.idx.msk vm11, v15  }
0x159: {  	v57 =	vadd.s32 $0xFFFFFFFF, v23;
	[tilespmem:v27+s13+$0x0] =	vst.idx.msk vm7, v11;
	v11 =	vadd.s32 v21, v26;
	v58, _, _ =	vpop (xrf0)  }
0x15a: {  	[tilespmem:v22+s13+$0x0] =	vst.idx.msk vm0, v10;
	v11 =	vadd.s32 $0xFFFFFFFF, v11;
	v59 =	vadd.s32 v58, v33;
	v60, _, _ =	vpop (xrf0);
	s20 =	spop (v2sf)  }
0x15b: {  	[tilespmem:v24+s13+$0x0] =	vst.idx.msk vm3, v13;
	v13 =	vadd.s32 $0xFFFFFFFF, v59;
	v61 =	vadd.s32 v60, v32;
	s22 =	sadd.s32 $0xF, s20  }
0x15c: {  	[tilespmem:v55+s13+$0x0] =	vst.idx.msk vm8, v20;
	v62 =	vadd.s32 $0xFFFFFFFF, v61;
	s20 =	sshra.s32 s22, $0x1F  }
0x15d: {  	[tilespmem:v56+s13+$0x0] =	vst.idx.msk vm4, v12;
	v63 =	vadd.s32 v0, v34;
	s20 =	sshrl.u32 s20, $0x1C  }
.Ltmp5:
0x15e: {  	[tilespmem:v57+s13+$0x0] =	vst.idx.msk vm2, v14;
	s20 =	sadd.s32 s20, s22;
	(pc) =	sbr.rel .LBB2_13-.Ltmp5, $4  }
0x15f: {  	[tilespmem:v11+s13+$0x0] =	vst.idx.msk vm1, v9;
	s20 =	sshra.s32 s20, $0x4  }
0x160: {  	[tilespmem:v13+s13+$0x0] =	vst.idx.msk vm10, v17;
	p1 =	sgt.s32 s20, $0x11  }
0x161: {  	[tilespmem:v62+s13+$0x0] =	vst.idx.msk vm9, v52;
	s20 =	simm.s32 @!p1 $0x11  }
0x162: {  	s21 =	simm.s32 $0x0;
	[tilespmem:v63+s13+$0x0] =	vst.idx.msk $0xffff, v5;
	p1 =	sgt.s32 s22, $0x10F;
	s20 =	sadd.s32 $0xFFFFFFF0, s20  }
.LBB2_18:
0x163: {  	v15 =	vmpcnt.ones.xlane vm1  }
0x164: {  	v16 =	vmpcnt.ones.xlane vm2;
	v17 =	vmpcnt.ones.xlane vm0;
	_ =	sdelay $0x1  }
0x165: {  	v14 =	vadd.s32 v14, v15;
	v12 =	vadd.s32 v12, v16;
	v13 =	vadd.s32 v13, v17  }
.LBB2_19:
0x166: {  	s21 =	sadd.s32 $0x1, s21  }
0x167: {  	p2 =	sne.s32 s21, $0xC  }
.Ltmp6:
0x168: {  	_ = 	snop;
	(pc) =	sbr.rel @!p2 .LBB2_20-.Ltmp6, $4  }
0x169: {  	vm0 =	vgt.s32 v14, $0x80  }
0x16a: {  	vm14 =	vgt.s32 v13, $0x80;
	v8 =	vsel vm0, v10, v8  }
0x16b: {  	vm15 =	vgt.s32 v12, $0x80;
	v8 =	vsel vm14, v11, v8  }
0x16c: {  	v8 =	vsel vm15, v9, v8  }
.LBB2_13:
0x16d: {  	s31 =	simm.s32 $0x9010  }
0x16e: {  	s22 =	sshll.u32 s21, $0x1;
	v14 =	vld [tilespmem:s31+$0xFFFFFFF0]  }
0x16f: {  	s22 =	ssub.s32 $0x16, s22;
	v15 =	vld [tilespmem:s31+$0x0]  }
0x170: {  	s23 =	simm.s32 $0x9030;
	v9 =	vshll.u32 v3, s22  }
0x171: {  	v13 =	vld [tilespmem:s23+$0xFFFFFFF0];
	v12 =	vshll.u32 v7, s22;
	v10 =	vadd.s32 v8, v9;
	v9 =	vshll.u32 v6, s22  }
0x172: {  	v11 =	vadd.s32 v8, v9;
	v9 =	vadd.s32 v8, v12  }
0x173: {  	vm0 =	vge.s32 v14, v9;
	vm1 =	vge.s32 v14, v10  }
0x174: {  	vm2 =	vge.s32 v15, v9;
	vm3 =	vge.s32 v15, v11;
	v18 =	vmpcnt.ones.xlane vm0  }
0x175: {  	vm0 =	vge.s32 v14, v11;
	v14 =	vmpcnt.ones.xlane vm2;
	vm2 =	vge.s32 v15, v10;
	v15 =	vld [tilespmem:s23+$0x0]  }
0x176: {  	v12 =	vimm.s32 $0x0;
	v16 =	vmpcnt.ones.xlane vm1;
	vm1 =	vge.s32 v13, v11  }
0x177: {  	v19 =	vmpcnt.ones.xlane vm3;
	v17 =	vmpcnt.ones.xlane vm0;
	v18 =	vadd.s32 v12, v18  }
0x178: {  	s22 =	simm.s32 $0x20;
	s23 =	simm.s32 $0x9050;
	vm0 =	vge.s32 v13, v10;
	v14 =	vadd.s32 v14, v18;
	v18 =	vimm.s32 $0x0  }
.LBB2_14:
0x179: {  	s22 =	sadd.s32 $0x20, s22  }
0x17a: {  	vm3 =	vge.s32 v13, v9;
	v13 =	vld [tilespmem:s23+$0xFFFFFFF0];
	vm4 =	vge.s32 v15, v9;
	v20 =	vmpcnt.ones.xlane vm2;
	v21 =	vmovc v15;
	p2 =	slt.u32 s22, $0xE0  }
.Ltmp7:
0x17b: {  	v12 =	vadd.s32 v12, v16;
	v16 =	vadd.s32 v18, v17;
	v15 =	vld [tilespmem:s23+$0x0];
	v22 =	vmpcnt.ones.xlane vm3;
	(pc) =	sbr.rel @p2 .LBB2_14-.Ltmp7, $4  }
0x17c: {  	v23 =	vmpcnt.ones.xlane vm4;
	v18 =	vadd.s32 v19, v16;
	v12 =	vadd.s32 v20, v12  }
0x17d: {  	v17 =	vmpcnt.ones.xlane vm1;
	v16 =	vmpcnt.ones.xlane vm0;
	v14 =	vadd.s32 v14, v22  }
0x17e: {  	vm2 =	vge.s32 v21, v10;
	vm3 =	vge.s32 v21, v11;
	v14 =	vadd.s32 v23, v14  }
0x17f: {  	s23 =	sadd.s32 $0x20, s23;
	v19 =	vmpcnt.ones.xlane vm3;
	vm0 =	vge.s32 v13, v10;
	vm1 =	vge.s32 v13, v11  }
0x180: {  	vm3 =	vge.s32 v13, v9;
	vm4 =	vge.s32 v15, v9;
	v13 =	vmpcnt.ones.xlane vm2  }
0x181: {  	v12 =	vadd.s32 v12, v16;
	v59 =	vadd.s32 v18, v17;
	v61 =	vmpcnt.ones.xlane vm1  }
.Ltmp8:
0x182: {  	vm14 =	vge.s32 v15, v10;
	vm15 =	vge.s32 v15, v11;
	v20 =	vmpcnt.ones.xlane vm3;
	(pc) =	sbr.rel @!p1 .LBB2_19-.Ltmp8, $4  }
0x183: {  	v60 =	vmpcnt.ones.xlane vm4;
	v12 =	vadd.s32 v13, v12;
	v13 =	vmpcnt.ones.xlane vm0  }
0x184: {  	v15 =	vadd.s32 v19, v59;
	v62 =	vmpcnt.ones.xlane vm15;
	v63 =	vmpcnt.ones.xlane vm14  }
0x185: {  	v15 =	vadd.s32 v15, v61;
	v14 =	vadd.s32 v14, v20;
	v13 =	vadd.s32 v12, v13  }
0x186: {  	s23 =	simm.s32 $0x9100;
	v12 =	vadd.s32 v60, v14;
	v14 =	vadd.s32 v63, v13;
	v13 =	vadd.s32 v62, v15  }
0x187: {  	v15 =	vld [tilespmem:s23+$0x0];
	p2 =	sne.s32 s20, $0x1  }
.Ltmp9:
0x188: {  	_ = 	snop;
	(pc) =	sbr.rel @!p2 .LBB2_18-.Ltmp9, $2  }
0x189: {  	_ =	sdelay $0x2  }
0x18a: {  	s22 =	sadd.s32 $0xFFFFFFFF, s20;
	s23 =	sadd.s32 $0x10, s23;
	vm1 =	vge.s32 v15, v10;
	vm0 =	vge.s32 v15, v11;
	vm2 =	vge.s32 v15, v9  }
.LBB2_17:
0x18b: {  	v15 =	vld [tilespmem:s23+$0x0];
	p2 =	sne.s32 s22, $0x1;
	s22 =	sadd.s32 $0xFFFFFFFF, s22;
	v16 =	vmpcnt.ones.xlane vm1;
	v17 =	vmpcnt.ones.xlane vm2  }
.Ltmp10:
0x18c: {  	v18 =	vmpcnt.ones.xlane vm0;
	(pc) =	sbr.rel @p2 .LBB2_17-.Ltmp10, $3  }
0x18d: {  	v14 =	vadd.s32 v14, v16;
	v12 =	vadd.s32 v12, v17  }
0x18e: {  	v13 =	vadd.s32 v13, v18;
	_ =	sdelay $0x1  }
0x18f: {  	s23 =	sadd.s32 $0x10, s23;
	vm1 =	vge.s32 v15, v10;
	vm0 =	vge.s32 v15, v11;
	vm2 =	vge.s32 v15, v9  }
.Ltmp11:
0x190: {  	_ = 	snop;
	(pc) =	sbr.rel .LBB2_18-.Ltmp11, $1  }
0x191: {  	_ =	sdelay $0x3  }
.LBB2_20:
0x192: {  	v11 =	vld [tilespmem:s18+$0x30]  }
0x193: {  	v15 =	vld [tilespmem:s18+$0xFFFFFFD0]  }
0x194: {  	v9 =	vshra.s32 v8, $0x1F;
	v14 =	vld [tilespmem:s18+$0xFFFFFFE0]  }
0x195: {  	v13 =	vld [tilespmem:s18+$0xFFFFFFF0];
	v9 =	vand.u32 $0x7FFFFFFF, v9  }
0x196: {  	v12 =	vld [tilespmem:s18+$0x0];
	v8 =	vxor.u32 v8, v9  }
0x197: {  	v10 =	vld [tilespmem:s18+$0x10];
	vm0 =	vgt.f32 v11, v8  }
0x198: {  	s19 =	sadd.s32 $0x4040, s19;
	v9 =	vld [tilespmem:s18+$0x20];
	vm1 =	vgt.f32 v15, v8;
	v16 =	vnsel vm0, $0x0, v11  }
0x199: {  	s20 =	simm.s32 $0x0;
	v11 =	vld [tilespmem:s18+$0xFFFFFFC0];
	v15 =	vnsel vm1, $0x0, v15;
	vm0 =	vgt.f32 v14, v8;
	s18 =	sadd.s32 $0x80, s18;
	[tilespmem:s19+$0x30] =	vst v16  }
.LBB2_21:
0x19a: {  	v16 =	vld [tilespmem:s18+$0x30];
	s20 =	sadd.s32 $0x80, s20;
	[tilespmem:s19+$0xFFFFFFD0] =	vst v15;
	v14 =	vnsel vm0, $0x0, v14;
	vm0 =	vgt.f32 v13, v8  }
0x19b: {  	v15 =	vld [tilespmem:s18+$0xFFFFFFD0];
	p1 =	slt.u32 s20, $0x1F80;
	[tilespmem:s19+$0xFFFFFFE0] =	vst v14;
	v13 =	vnsel vm0, $0x0, v13;
	vm0 =	vgt.f32 v12, v8  }
0x19c: {  	v14 =	vld [tilespmem:s18+$0xFFFFFFE0];
	[tilespmem:s19+$0xFFFFFFF0] =	vst v13;
	v12 =	vnsel vm0, $0x0, v12;
	vm0 =	vgt.f32 v10, v8  }
.Ltmp12:
0x19d: {  	v13 =	vld [tilespmem:s18+$0xFFFFFFF0];
	[tilespmem:s19+$0x0] =	vst v12;
	v10 =	vnsel vm0, $0x0, v10;
	vm0 =	vgt.f32 v9, v8;
	(pc) =	sbr.rel @p1 .LBB2_21-.Ltmp12, $4  }
0x19e: {  	v12 =	vld [tilespmem:s18+$0x0];
	vm1 =	vgt.f32 v11, v8;
	[tilespmem:s19+$0x10] =	vst v10;
	v9 =	vnsel vm0, $0x0, v9  }
0x19f: {  	v10 =	vld [tilespmem:s18+$0x10];
	vm0 =	vgt.f32 v16, v8;
	v11 =	vnsel vm1, $0x0, v11;
	[tilespmem:s19+$0x20] =	vst v9  }
0x1a0: {  	vm1 =	vgt.f32 v15, v8;
	v9 =	vld [tilespmem:s18+$0x20];
	v16 =	vnsel vm0, $0x0, v16;
	[tilespmem:s19+$0xFFFFFFC0] =	vst v11;
	s19 =	sadd.s32 $0x80, s19  }
0x1a1: {  	v11 =	vld [tilespmem:s18+$0xFFFFFFC0];
	v15 =	vnsel vm1, $0x0, v15;
	vm0 =	vgt.f32 v14, v8;
	[tilespmem:s19+$0x30] =	vst v16;
	s18 =	sadd.s32 $0x80, s18  }
0x1a2: {  	[tilespmem:s19+$0xFFFFFFD0] =	vst v15;
	v14 =	vnsel vm0, $0x0, v14;
	vm12 =	vgt.f32 v13, v8  }
0x1a3: {  	[tilespmem:s19+$0xFFFFFFE0] =	vst v14;
	v13 =	vnsel vm12, $0x0, v13;
	vm13 =	vgt.f32 v12, v8  }
0x1a4: {  	[tilespmem:s19+$0xFFFFFFF0] =	vst v13;
	v12 =	vnsel vm13, $0x0, v12;
	vm14 =	vgt.f32 v10, v8  }
0x1a5: {  	s16 =	sor.u32 s2, s16;
	[tilespmem:s19+$0x0] =	vst v12;
	v10 =	vnsel vm14, $0x0, v10;
	vm15 =	vgt.f32 v9, v8  }
.Ltmp13:
0x1a6: {  	s16 =	sshll.u32 s16, $0x4;
	vm1 =	vgt.f32 v11, v8;
	[tilespmem:s19+$0x10] =	vst v10;
	v8 =	vnsel vm15, $0x0, v9;
	(pc) =	sbr.rel @p0 .LBB2_2-.Ltmp13, $4  }
0x1a7: {  	s16 =	sand.u32 $0x70, s16;
	v63 =	vnsel vm1, $0x0, v11;
	[tilespmem:s19+$0x20] =	vst v8  }
0x1a8: {  	s17 =	sadd.s32 $0x4000, s17;
	s16 =	sadd.s32 s16, s6;
	[tilespmem:s19+$0xFFFFFFC0] =	vst v63  }
0x1a9: {  	[hbm4b:s16+s8] =	stream.strided.scatter [tilespmem:s17], [sflag:$0x2], $0x2000, s9, s8, $0x38;
	[tilespmem:$0xB080] =	vst v63  }
0x1aa: {  	p1 =	por $0x0, $0x0;
	s16 =	simm.s32 $0x1  }
0x1ab: {  	s15 =	sadd.s32 $0x1, s15  }
0x1ac: {  	_ =	swait.ge [sflag:s14], $0x2000;
	p0 =	sne.s32 s15, s7  }
.Ltmp14:
0x1ad: {  	[sflag:s14] =	ssyncset.done $0x0;
	(pc) =	sbr.rel @p0 .LBB2_1-.Ltmp14, $4  }
0x1ae: {  	[sflag:s14] =	ssyncadd.s32 $0xFFFFE000  }
0x1af: {  	_ =	swait.ge [sflag:s14], $0x2000  }
0x1b0: {  	[sflag:s14] =	ssyncset.done $0x0  }
0x1b1: {  	[sflag:s14] =	ssyncadd.s32 $0xFFFFE000  }
0x1b2: {  	_ =	sfence.sel $0x180000  }
0x1b3: {  	[bflag:$0x0] =	sbarrier.arrive $0xFFFF  }
0x1b4: {  	p0 =	sne.s32 s0, $0x0;
	_ =	strace $0x90000047  }
0x1b5: {  	s0 =	sadd.s32 @!p0 $0x100000, s1;
	[bflag:$0x2] =	sbarrier.arrive $0xFFFF  }
0x1b6: {  	[sflag:s0] =	ssyncadd.tile.s32 @!p0 $0x1;
	_ =	shalt  }
.Lfunc_end2:
_tile_overlayer_lowered:
.L_overlay_start_2:
0x1b7: {  	(tag) =	ssettag $0x2  }
0x1b8: {  	s0 =	rddreg [dreg:$0x0];
	s2 =	stileid.u32  }
0x1b9: {  	s1 =	rddreg [dreg:$0x1];
	p0 =	sne.s32 s2, $0x0  }
0x1ba: {  	s3 =	rddreg [dreg:$0x2];
	[bflag:$0x3] =	sbarrier.arrive $0xFFFF;
	s2 =	simm.s32 @!p0 $0x1C03  }
0x1bb: {  	[timem:s3], [sflag:s2] =	dma.local @!p0 [hbm:s0], s1  }
0x1bc: {  	s0 =	simm.s32 @!p0 $0x3  }
0x1bd: {  	_ =	swait.ge @!p0 [sflag:s0], s1  }
0x1be: {  	s1 =	ssub.s32 @!p0 $0x0, s1;
	[sflag:s0] =	ssyncset.done @!p0 $0x0  }
0x1bf: {  	[sflag:s0] =	ssyncadd.s32 @!p0 s1  }
0x1c0: {  	[bflag:$0x3] =	sbarrier.arrive $0xFFFF  }
0x1c1: {  	_ =	shalt  }

</sc_bundles>
